<compile_context>
chip_gen: v7x
topology: tpu7x:2x2x1
jax: 0.10.2.dev20260603
libtpu: 0.0.44.dev20260713+nightly
codegen_flags: <defaults>
</compile_context>

<pallas_src>
import functools

import jax
import jax.numpy as jnp
from jax import lax
from jax.experimental import pallas as pl
from jax.experimental.pallas import tpu as pltpu
from jax.experimental.pallas import tpu_sc as plsc

NUM_CLASSES = 1000
INPUT_SIZE = 200
BATCH = 16384

_VPAD = 1024
_NC = 2
_NS = 16
_NW = _NC * _NS

_RG = 8
_BG = 2048
_NCH = BATCH // _BG
_NUNITS = (INPUT_SIZE // _RG) * _NCH
_NJ = _BG // 16


def _prep_body(wt_ref, o_ref):
    o_ref[:, :NUM_CLASSES] = 1.0 / (1.0 + jnp.exp(-wt_ref[...]))
    o_ref[:, NUM_CLASSES:] = jnp.zeros(
        (INPUT_SIZE, _VPAD - NUM_CLASSES), jnp.float32)


_prep = pl.pallas_call(
    _prep_body,
    out_shape=jax.ShapeDtypeStruct((INPUT_SIZE, _VPAD), jnp.float32),
)


def _gather_body(idx_hbm, tt_hbm, out_hbm, tv, iv, ov):
    wid = lax.axis_index("s") * _NC + lax.axis_index("c")
    lo = wid * _NUNITS // _NW
    hi = (wid + 1) * _NUNITS // _NW
    rows = [jnp.full((16,), r, jnp.int32) for r in range(_RG)]

    def unit_body(u, carry):
        g = u // _NCH
        ch = u % _NCH
        pltpu.sync_copy(tt_hbm.at[pl.ds(g * _RG, _RG)], tv)
        pltpu.sync_copy(idx_hbm.at[pl.ds(ch * _BG, _BG)], iv)

        @plsc.parallel_loop(0, _NJ, unroll=4)
        def _(j):
            idx16 = iv[pl.ds(j * 16, 16)]
            for r in range(_RG):
                ov[r, pl.ds(j * 16, 16)] = plsc.load_gather(
                    tv, [rows[r], idx16])

        pltpu.sync_copy(ov, out_hbm.at[pl.ds(g * _RG, _RG),
                                       pl.ds(ch * _BG, _BG)])
        return carry

    lax.fori_loop(lo, hi, unit_body, 0)


@functools.cache
def _gather_t():
    return pl.kernel(
        _gather_body,
        out_type=jax.ShapeDtypeStruct((INPUT_SIZE, BATCH), jnp.float32),
        mesh=plsc.VectorSubcoreMesh(core_axis_name="c", subcore_axis_name="s"),
        scratch_types=[
            pltpu.VMEM((_RG, _VPAD), jnp.float32),
            pltpu.VMEM((_BG,), jnp.int32),
            pltpu.VMEM((_RG, _BG), jnp.float32),
        ],

        compiler_params=pltpu.CompilerParams(
            use_tc_tiling_on_sc=True, needs_layout_passes=False),
    )


def kernel(class_labels, class_weights):
    tt = _prep(jnp.transpose(class_weights))
    out_t = _gather_t()(class_labels.astype(jnp.int32), tt)
    return jnp.transpose(out_t)

# --- scband reference (transcript-rebuilt; emitter-appended) ---
"""Pipeline reference for scband-class-specific-band-enhancement-88802743812491 (READ-ONLY COPY).

The authoritative reference and input builder live on the scoring server;
editing this copy changes nothing except your own understanding.
"""

import jax, jax.numpy as jnp
import numpy as np

NUM_CLASSES = 1000
INPUT_SIZE = 200
BATCH = 16384

def setup_inputs(seed: int = 0) -> dict:
    key = jax.random.key(seed)
    k1, k2 = jax.random.split(key)
    class_labels = jax.random.randint(k1, (BATCH,), 0, NUM_CLASSES, dtype=jnp.int64 if jax.config.jax_enable_x64 else jnp.int32)
    class_weights = jnp.ones((NUM_CLASSES, INPUT_SIZE), dtype=jnp.float32)
    return {"class_labels": class_labels, "class_weights": class_weights}

def reference(class_labels, class_weights):
    # gather rows from the learned per-class weight table, then sigmoid
    w_class = jax.nn.sigmoid(jnp.take(class_weights, class_labels, axis=0))
    return w_class

if __name__ == "__main__":
    import jax
    _d = setup_inputs()
    print(jax.jit(kernel)(*tuple(_d.values())))

</pallas_src>

<mosaic_0001>
#map = affine_map<(d0, d1) -> (0)>
#map1 = affine_map<(d0, d1) -> (0, 0)>
module attributes {stable_mosaic.version = 14 : i64} {
  func.func @_gather_body(%arg0: i32, %arg1: i32, %arg2: memref<16384xi32, #tpu.memory_space<hbm>>, %arg3: memref<200x1024xf32, #tpu.memory_space<hbm>>, %arg4: memref<200x16384xf32, #tpu.memory_space<hbm>>, %arg5: memref<8x1024xf32, #tpu.memory_space<vmem>>, %arg6: memref<2048xi32, #tpu.memory_space<vmem>>, %arg7: memref<8x2048xf32, #tpu.memory_space<vmem>>) attributes {dimension_semantics = [#tpu.dimension_semantics<core_parallel>, #tpu.dimension_semantics<subcore_parallel>], iteration_bounds = array<i64: 2, 16>, scalar_prefetch = 0 : i64, scratch_operands = 3 : i64, tpu.core_type = #tpu.core_type<sc_vector_subcore>, window_params = [{transform_indices = #map}, {transform_indices = #map1}, {transform_indices = #map1}]} {
    %mul3A = arith.constant 2 : i32
    %mul3A_0 = arith.muli %arg1, %mul3A : i32
    %add3A = arith.addi %mul3A_0, %arg0 : i32
    %mul3A_1 = arith.constant 200 : i32
    %mul3A_2 = arith.muli %add3A, %mul3A_1 : i32
    %jit3A = arith.constant 32 : i32
    %div3A = arith.divsi %mul3A_2, %jit3A : i32
    %sign3A = arith.constant 0 : i32
    %sign3A_3 = arith.cmpi sgt, %mul3A_2, %sign3A : i32
    %sign3A_4 = arith.extui %sign3A_3 : i1 to i32
    %sign3A_5 = arith.constant 0 : i32
    %sign3A_6 = arith.cmpi slt, %mul3A_2, %sign3A_5 : i32
    %sign3A_7 = arith.extui %sign3A_6 : i1 to i32
    %sign3A_8 = arith.subi %sign3A_4, %sign3A_7 : i32
    %sign3A_9 = arith.constant 0 : i32
    %sign3A_10 = arith.cmpi sgt, %jit3A, %sign3A_9 : i32
    %sign3A_11 = arith.extui %sign3A_10 : i1 to i32
    %sign3A_12 = arith.constant 0 : i32
    %sign3A_13 = arith.cmpi slt, %jit3A, %sign3A_12 : i32
    %sign3A_14 = arith.extui %sign3A_13 : i1 to i32
    %sign3A_15 = arith.subi %sign3A_11, %sign3A_14 : i32
    %ne3A = arith.cmpi ne, %sign3A_8, %sign3A_15 : i32
    %rem3A = arith.remsi %mul3A_2, %jit3A : i32
    %ne3A_16 = arith.constant 0 : i32
    %ne3A_17 = arith.cmpi ne, %rem3A, %ne3A_16 : i32
    %and3A = arith.andi %ne3A, %ne3A_17 : i1
    %sub3A = arith.constant 1 : i32
    %sub3A_18 = arith.subi %div3A, %sub3A : i32
    %select_n3A = arith.select %and3A, %sub3A_18, %div3A : i32
    %add3A_19 = arith.constant 1 : i32
    %add3A_20 = arith.addi %add3A, %add3A_19 : i32
    %mul3A_21 = arith.constant 200 : i32
    %mul3A_22 = arith.muli %add3A_20, %mul3A_21 : i32
    %jit3A_23 = arith.constant 32 : i32
    %div3A_24 = arith.divsi %mul3A_22, %jit3A_23 : i32
    %sign3A_25 = arith.constant 0 : i32
    %sign3A_26 = arith.cmpi sgt, %mul3A_22, %sign3A_25 : i32
    %sign3A_27 = arith.extui %sign3A_26 : i1 to i32
    %sign3A_28 = arith.constant 0 : i32
    %sign3A_29 = arith.cmpi slt, %mul3A_22, %sign3A_28 : i32
    %sign3A_30 = arith.extui %sign3A_29 : i1 to i32
    %sign3A_31 = arith.subi %sign3A_27, %sign3A_30 : i32
    %sign3A_32 = arith.constant 0 : i32
    %sign3A_33 = arith.cmpi sgt, %jit3A_23, %sign3A_32 : i32
    %sign3A_34 = arith.extui %sign3A_33 : i1 to i32
    %sign3A_35 = arith.constant 0 : i32
    %sign3A_36 = arith.cmpi slt, %jit3A_23, %sign3A_35 : i32
    %sign3A_37 = arith.extui %sign3A_36 : i1 to i32
    %sign3A_38 = arith.subi %sign3A_34, %sign3A_37 : i32
    %ne3A_39 = arith.cmpi ne, %sign3A_31, %sign3A_38 : i32
    %rem3A_40 = arith.remsi %mul3A_22, %jit3A_23 : i32
    %ne3A_41 = arith.constant 0 : i32
    %ne3A_42 = arith.cmpi ne, %rem3A_40, %ne3A_41 : i32
    %and3A_43 = arith.andi %ne3A_39, %ne3A_42 : i1
    %sub3A_44 = arith.constant 1 : i32
    %sub3A_45 = arith.subi %div3A_24, %sub3A_44 : i32
    %select_n3A_46 = arith.select %and3A_43, %sub3A_45, %div3A_24 : i32
    %broadcast_in_dim3A = arith.constant 0 : i32
    %broadcast_in_dim3A_47 = vector.broadcast %broadcast_in_dim3A : i32 to vector<16xi32>
    %broadcast_in_dim3A_48 = arith.constant 1 : i32
    %broadcast_in_dim3A_49 = vector.broadcast %broadcast_in_dim3A_48 : i32 to vector<16xi32>
    %broadcast_in_dim3A_50 = arith.constant 2 : i32
    %broadcast_in_dim3A_51 = vector.broadcast %broadcast_in_dim3A_50 : i32 to vector<16xi32>
    %broadcast_in_dim3A_52 = arith.constant 3 : i32
    %broadcast_in_dim3A_53 = vector.broadcast %broadcast_in_dim3A_52 : i32 to vector<16xi32>
    %broadcast_in_dim3A_54 = arith.constant 4 : i32
    %broadcast_in_dim3A_55 = vector.broadcast %broadcast_in_dim3A_54 : i32 to vector<16xi32>
    %broadcast_in_dim3A_56 = arith.constant 5 : i32
    %broadcast_in_dim3A_57 = vector.broadcast %broadcast_in_dim3A_56 : i32 to vector<16xi32>
    %broadcast_in_dim3A_58 = arith.constant 6 : i32
    %broadcast_in_dim3A_59 = vector.broadcast %broadcast_in_dim3A_58 : i32 to vector<16xi32>
    %broadcast_in_dim3A_60 = arith.constant 7 : i32
    %broadcast_in_dim3A_61 = vector.broadcast %broadcast_in_dim3A_60 : i32 to vector<16xi32>
    %while3A = arith.constant 0 : i32
    %while3A_62 = arith.subi %select_n3A_46, %select_n3A : i32
    %while3A_63 = arith.addi %select_n3A, %while3A_62 : i32
    %while3A_64 = arith.constant 1 : i32
    %while3A_65 = arith.divsi %while3A_62, %while3A_64 : i32
    %while3A_66 = arith.muli %while3A_65, %while3A_64 : i32
    %while3A_67 = arith.addi %select_n3A, %while3A_66 : i32
    %while3A_68 = arith.constant 1 : i32
    scf.for %while3A_70 = %select_n3A to %while3A_67 step %while3A_68  : i32 {
      %jit3A_71 = arith.constant 8 : i32
      %div3A_72 = arith.divsi %while3A_70, %jit3A_71 : i32
      %sign3A_73 = arith.constant 0 : i32
      %sign3A_74 = arith.cmpi sgt, %while3A_70, %sign3A_73 : i32
      %sign3A_75 = arith.extui %sign3A_74 : i1 to i32
      %sign3A_76 = arith.constant 0 : i32
      %sign3A_77 = arith.cmpi slt, %while3A_70, %sign3A_76 : i32
      %sign3A_78 = arith.extui %sign3A_77 : i1 to i32
      %sign3A_79 = arith.subi %sign3A_75, %sign3A_78 : i32
      %sign3A_80 = arith.constant 0 : i32
      %sign3A_81 = arith.cmpi sgt, %jit3A_71, %sign3A_80 : i32
      %sign3A_82 = arith.extui %sign3A_81 : i1 to i32
      %sign3A_83 = arith.constant 0 : i32
      %sign3A_84 = arith.cmpi slt, %jit3A_71, %sign3A_83 : i32
      %sign3A_85 = arith.extui %sign3A_84 : i1 to i32
      %sign3A_86 = arith.subi %sign3A_82, %sign3A_85 : i32
      %ne3A_87 = arith.cmpi ne, %sign3A_79, %sign3A_86 : i32
      %rem3A_88 = arith.remsi %while3A_70, %jit3A_71 : i32
      %ne3A_89 = arith.constant 0 : i32
      %ne3A_90 = arith.cmpi ne, %rem3A_88, %ne3A_89 : i32
      %and3A_91 = arith.andi %ne3A_87, %ne3A_90 : i1
      %sub3A_92 = arith.constant 1 : i32
      %sub3A_93 = arith.subi %div3A_72, %sub3A_92 : i32
      %select_n3A_94 = arith.select %and3A_91, %sub3A_93, %div3A_72 : i32
      %jit3A_95 = arith.constant 8 : i32
      %eq3A = arith.constant 0 : i32
      %eq3A_96 = arith.cmpi eq, %jit3A_95, %eq3A : i32
      %jit3A_97 = arith.constant 1 : i32
      %select_n3A_98 = arith.select %eq3A_96, %jit3A_97, %jit3A_95 : i32
      %rem3A_99 = arith.remsi %while3A_70, %select_n3A_98 : i32
      %ne3A_100 = arith.constant 0 : i32
      %ne3A_101 = arith.cmpi ne, %rem3A_99, %ne3A_100 : i32
      %lt3A = arith.constant 0 : i32
      %lt3A_102 = arith.cmpi slt, %rem3A_99, %lt3A : i32
      %lt3A_103 = arith.constant 0 : i32
      %lt3A_104 = arith.cmpi slt, %select_n3A_98, %lt3A_103 : i32
      %ne3A_105 = arith.xori %lt3A_102, %lt3A_104 : i1
      %and3A_106 = arith.andi %ne3A_105, %ne3A_101 : i1
      %add3A_107 = arith.addi %rem3A_99, %select_n3A_98 : i32
      %select_n3A_108 = arith.select %and3A_106, %add3A_107, %rem3A_99 : i32
      %mul3A_109 = arith.constant 8 : i32
      %mul3A_110 = arith.muli %select_n3A_94, %mul3A_109 : i32
      "tpu.region"() ({
        %run_scoped3A = tpu.sem_alloc : memref<!tpu.dma_semaphore, #tpu.memory_space<semaphore_mem>>
        %dma_start3A = arith.constant 0 : i32
        %dma_start3A_119 = tpu.memref_slice %arg3[%mul3A_110, %dma_start3A] : memref<200x1024xf32, #tpu.memory_space<hbm>> -> memref<8x1024xf32, #tpu.memory_space<hbm>>
        %dma_start3A_120 = arith.constant 0 : i32
        %dma_start3A_121 = tpu.memref_slice %arg3[%mul3A_110, %dma_start3A_120] : memref<200x1024xf32, #tpu.memory_space<hbm>> -> memref<8x1024xf32, #tpu.memory_space<hbm>>
        tpu.enqueue_dma source(%dma_start3A_121 : memref<8x1024xf32, #tpu.memory_space<hbm>>) target(%arg5 : memref<8x1024xf32, #tpu.memory_space<vmem>>) target_semaphore(%run_scoped3A : memref<!tpu.dma_semaphore, #tpu.memory_space<semaphore_mem>>)
        %dma_wait3A = arith.constant 0 : i32
        %dma_wait3A_122 = tpu.memref_slice %arg3[%mul3A_110, %dma_wait3A] : memref<200x1024xf32, #tpu.memory_space<hbm>> -> memref<8x1024xf32, #tpu.memory_space<hbm>>
        %dma_wait3A_123 = arith.constant 0 : i32
        %dma_wait3A_124 = tpu.memref_slice %arg3[%mul3A_110, %dma_wait3A_123] : memref<200x1024xf32, #tpu.memory_space<hbm>> -> memref<8x1024xf32, #tpu.memory_space<hbm>>
        tpu.wait_dma2 semaphore(%run_scoped3A : memref<!tpu.dma_semaphore, #tpu.memory_space<semaphore_mem>>) src(%dma_wait3A_124 : memref<8x1024xf32, #tpu.memory_space<hbm>>) dst(%arg5 : memref<8x1024xf32, #tpu.memory_space<vmem>>)
        tpu.yield
      }) : () -> ()
      %mul3A_111 = arith.constant 2048 : i32
      %mul3A_112 = arith.muli %select_n3A_108, %mul3A_111 : i32
      "tpu.region"() ({
        %run_scoped3A = tpu.sem_alloc : memref<!tpu.dma_semaphore, #tpu.memory_space<semaphore_mem>>
        %dma_start3A = tpu.memref_slice %arg2[%mul3A_112] : memref<16384xi32, #tpu.memory_space<hbm>> -> memref<2048xi32, #tpu.memory_space<hbm>>
        %dma_start3A_119 = tpu.memref_slice %arg2[%mul3A_112] : memref<16384xi32, #tpu.memory_space<hbm>> -> memref<2048xi32, #tpu.memory_space<hbm>>
        tpu.enqueue_dma source(%dma_start3A_119 : memref<2048xi32, #tpu.memory_space<hbm>>) target(%arg6 : memref<2048xi32, #tpu.memory_space<vmem>>) target_semaphore(%run_scoped3A : memref<!tpu.dma_semaphore, #tpu.memory_space<semaphore_mem>>)
        %dma_wait3A = tpu.memref_slice %arg2[%mul3A_112] : memref<16384xi32, #tpu.memory_space<hbm>> -> memref<2048xi32, #tpu.memory_space<hbm>>
        %dma_wait3A_120 = tpu.memref_slice %arg2[%mul3A_112] : memref<16384xi32, #tpu.memory_space<hbm>> -> memref<2048xi32, #tpu.memory_space<hbm>>
        tpu.wait_dma2 semaphore(%run_scoped3A : memref<!tpu.dma_semaphore, #tpu.memory_space<semaphore_mem>>) src(%dma_wait3A_120 : memref<2048xi32, #tpu.memory_space<hbm>>) dst(%arg6 : memref<2048xi32, #tpu.memory_space<vmem>>)
        tpu.yield
      }) : () -> ()
      %parallel_loop3A = arith.constant 0 : i32
      %parallel_loop3A_113 = arith.constant 128 : i32
      %parallel_loop3A_114 = arith.constant 1 : i32
      scf.for %parallel_loop3A_119 = %parallel_loop3A to %parallel_loop3A_113 step %parallel_loop3A_114  : i32 {
        %parallel_loop3A_120 = arith.constant 16 : i32
        %parallel_loop3A_121 = arith.muli %parallel_loop3A_119, %parallel_loop3A_120 : i32
        %parallel_loop3A_122 = arith.index_cast %parallel_loop3A_121 : i32 to index
        %parallel_loop3A_123 = tpu.vector_load %arg6[%parallel_loop3A_122] {strides = array<i32>} : memref<2048xi32, #tpu.memory_space<vmem>>, vector<16xi32>,
        %parallel_loop3A_124 = tpu.vector_load_idx %arg5[%broadcast_in_dim3A_47, %parallel_loop3A_123] : memref<8x1024xf32, #tpu.memory_space<vmem>>[vector<16xi32>, vector<16xi32>], vector<16xf32>,
        %parallel_loop3A_125 = arith.constant 16 : i32
        %parallel_loop3A_126 = arith.muli %parallel_loop3A_119, %parallel_loop3A_125 : i32
        %parallel_loop3A_127 = arith.constant 0 : i32
        %parallel_loop3A_128 = arith.index_cast %parallel_loop3A_127 : i32 to index
        %parallel_loop3A_129 = arith.index_cast %parallel_loop3A_126 : i32 to index
        %parallel_loop3A_130 = tpu.vector_load %arg7[%parallel_loop3A_128, %parallel_loop3A_129] {strides = array<i32>} : memref<8x2048xf32, #tpu.memory_space<vmem>>, vector<16xf32>,
        tpu.vector_store %arg7[%parallel_loop3A_128, %parallel_loop3A_129], %parallel_loop3A_124 {strides = array<i32>} : memref<8x2048xf32, #tpu.memory_space<vmem>>, vector<16xf32>,
        %parallel_loop3A_131 = tpu.vector_load_idx %arg5[%broadcast_in_dim3A_49, %parallel_loop3A_123] : memref<8x1024xf32, #tpu.memory_space<vmem>>[vector<16xi32>, vector<16xi32>], vector<16xf32>,
        %parallel_loop3A_132 = arith.constant 16 : i32
        %parallel_loop3A_133 = arith.muli %parallel_loop3A_119, %parallel_loop3A_132 : i32
        %parallel_loop3A_134 = arith.constant 1 : i32
        %parallel_loop3A_135 = arith.index_cast %parallel_loop3A_134 : i32 to index
        %parallel_loop3A_136 = arith.index_cast %parallel_loop3A_133 : i32 to index
        %parallel_loop3A_137 = tpu.vector_load %arg7[%parallel_loop3A_135, %parallel_loop3A_136] {strides = array<i32>} : memref<8x2048xf32, #tpu.memory_space<vmem>>, vector<16xf32>,
        tpu.vector_store %arg7[%parallel_loop3A_135, %parallel_loop3A_136], %parallel_loop3A_131 {strides = array<i32>} : memref<8x2048xf32, #tpu.memory_space<vmem>>, vector<16xf32>,
        %parallel_loop3A_138 = tpu.vector_load_idx %arg5[%broadcast_in_dim3A_51, %parallel_loop3A_123] : memref<8x1024xf32, #tpu.memory_space<vmem>>[vector<16xi32>, vector<16xi32>], vector<16xf32>,
        %parallel_loop3A_139 = arith.constant 16 : i32
        %parallel_loop3A_140 = arith.muli %parallel_loop3A_119, %parallel_loop3A_139 : i32
        %parallel_loop3A_141 = arith.constant 2 : i32
        %parallel_loop3A_142 = arith.index_cast %parallel_loop3A_141 : i32 to index
        %parallel_loop3A_143 = arith.index_cast %parallel_loop3A_140 : i32 to index
        %parallel_loop3A_144 = tpu.vector_load %arg7[%parallel_loop3A_142, %parallel_loop3A_143] {strides = array<i32>} : memref<8x2048xf32, #tpu.memory_space<vmem>>, vector<16xf32>,
        tpu.vector_store %arg7[%parallel_loop3A_142, %parallel_loop3A_143], %parallel_loop3A_138 {strides = array<i32>} : memref<8x2048xf32, #tpu.memory_space<vmem>>, vector<16xf32>,
        %parallel_loop3A_145 = tpu.vector_load_idx %arg5[%broadcast_in_dim3A_53, %parallel_loop3A_123] : memref<8x1024xf32, #tpu.memory_space<vmem>>[vector<16xi32>, vector<16xi32>], vector<16xf32>,
        %parallel_loop3A_146 = arith.constant 16 : i32
        %parallel_loop3A_147 = arith.muli %parallel_loop3A_119, %parallel_loop3A_146 : i32
        %parallel_loop3A_148 = arith.constant 3 : i32
        %parallel_loop3A_149 = arith.index_cast %parallel_loop3A_148 : i32 to index
        %parallel_loop3A_150 = arith.index_cast %parallel_loop3A_147 : i32 to index
        %parallel_loop3A_151 = tpu.vector_load %arg7[%parallel_loop3A_149, %parallel_loop3A_150] {strides = array<i32>} : memref<8x2048xf32, #tpu.memory_space<vmem>>, vector<16xf32>,
        tpu.vector_store %arg7[%parallel_loop3A_149, %parallel_loop3A_150], %parallel_loop3A_145 {strides = array<i32>} : memref<8x2048xf32, #tpu.memory_space<vmem>>, vector<16xf32>,
        %parallel_loop3A_152 = tpu.vector_load_idx %arg5[%broadcast_in_dim3A_55, %parallel_loop3A_123] : memref<8x1024xf32, #tpu.memory_space<vmem>>[vector<16xi32>, vector<16xi32>], vector<16xf32>,
        %parallel_loop3A_153 = arith.constant 16 : i32
        %parallel_loop3A_154 = arith.muli %parallel_loop3A_119, %parallel_loop3A_153 : i32
        %parallel_loop3A_155 = arith.constant 4 : i32
        %parallel_loop3A_156 = arith.index_cast %parallel_loop3A_155 : i32 to index
        %parallel_loop3A_157 = arith.index_cast %parallel_loop3A_154 : i32 to index
        %parallel_loop3A_158 = tpu.vector_load %arg7[%parallel_loop3A_156, %parallel_loop3A_157] {strides = array<i32>} : memref<8x2048xf32, #tpu.memory_space<vmem>>, vector<16xf32>,
        tpu.vector_store %arg7[%parallel_loop3A_156, %parallel_loop3A_157], %parallel_loop3A_152 {strides = array<i32>} : memref<8x2048xf32, #tpu.memory_space<vmem>>, vector<16xf32>,
        %parallel_loop3A_159 = tpu.vector_load_idx %arg5[%broadcast_in_dim3A_57, %parallel_loop3A_123] : memref<8x1024xf32, #tpu.memory_space<vmem>>[vector<16xi32>, vector<16xi32>], vector<16xf32>,
        %parallel_loop3A_160 = arith.constant 16 : i32
        %parallel_loop3A_161 = arith.muli %parallel_loop3A_119, %parallel_loop3A_160 : i32
        %parallel_loop3A_162 = arith.constant 5 : i32
        %parallel_loop3A_163 = arith.index_cast %parallel_loop3A_162 : i32 to index
        %parallel_loop3A_164 = arith.index_cast %parallel_loop3A_161 : i32 to index
        %parallel_loop3A_165 = tpu.vector_load %arg7[%parallel_loop3A_163, %parallel_loop3A_164] {strides = array<i32>} : memref<8x2048xf32, #tpu.memory_space<vmem>>, vector<16xf32>,
        tpu.vector_store %arg7[%parallel_loop3A_163, %parallel_loop3A_164], %parallel_loop3A_159 {strides = array<i32>} : memref<8x2048xf32, #tpu.memory_space<vmem>>, vector<16xf32>,
        %parallel_loop3A_166 = tpu.vector_load_idx %arg5[%broadcast_in_dim3A_59, %parallel_loop3A_123] : memref<8x1024xf32, #tpu.memory_space<vmem>>[vector<16xi32>, vector<16xi32>], vector<16xf32>,
        %parallel_loop3A_167 = arith.constant 16 : i32
        %parallel_loop3A_168 = arith.muli %parallel_loop3A_119, %parallel_loop3A_167 : i32
        %parallel_loop3A_169 = arith.constant 6 : i32
        %parallel_loop3A_170 = arith.index_cast %parallel_loop3A_169 : i32 to index
        %parallel_loop3A_171 = arith.index_cast %parallel_loop3A_168 : i32 to index
        %parallel_loop3A_172 = tpu.vector_load %arg7[%parallel_loop3A_170, %parallel_loop3A_171] {strides = array<i32>} : memref<8x2048xf32, #tpu.memory_space<vmem>>, vector<16xf32>,
        tpu.vector_store %arg7[%parallel_loop3A_170, %parallel_loop3A_171], %parallel_loop3A_166 {strides = array<i32>} : memref<8x2048xf32, #tpu.memory_space<vmem>>, vector<16xf32>,
        %parallel_loop3A_173 = tpu.vector_load_idx %arg5[%broadcast_in_dim3A_61, %parallel_loop3A_123] : memref<8x1024xf32, #tpu.memory_space<vmem>>[vector<16xi32>, vector<16xi32>], vector<16xf32>,
        %parallel_loop3A_174 = arith.constant 16 : i32
        %parallel_loop3A_175 = arith.muli %parallel_loop3A_119, %parallel_loop3A_174 : i32
        %parallel_loop3A_176 = arith.constant 7 : i32
        %parallel_loop3A_177 = arith.index_cast %parallel_loop3A_176 : i32 to index
        %parallel_loop3A_178 = arith.index_cast %parallel_loop3A_175 : i32 to index
        %parallel_loop3A_179 = tpu.vector_load %arg7[%parallel_loop3A_177, %parallel_loop3A_178] {strides = array<i32>} : memref<8x2048xf32, #tpu.memory_space<vmem>>, vector<16xf32>,
        tpu.vector_store %arg7[%parallel_loop3A_177, %parallel_loop3A_178], %parallel_loop3A_173 {strides = array<i32>} : memref<8x2048xf32, #tpu.memory_space<vmem>>, vector<16xf32>,
      } {sc.loop_unroll_factor = 4 : i64, sc.parallel_access}
      %mul3A_115 = arith.constant 8 : i32
      %mul3A_116 = arith.muli %select_n3A_94, %mul3A_115 : i32
      %mul3A_117 = arith.constant 2048 : i32
      %mul3A_118 = arith.muli %select_n3A_108, %mul3A_117 : i32
      "tpu.region"() ({
        %run_scoped3A = tpu.sem_alloc : memref<!tpu.dma_semaphore, #tpu.memory_space<semaphore_mem>>
        %dma_start3A = tpu.memref_slice %arg4[%mul3A_116, %mul3A_118] : memref<200x16384xf32, #tpu.memory_space<hbm>> -> memref<8x2048xf32, #tpu.memory_space<hbm>>
        %dma_start3A_119 = tpu.memref_slice %arg4[%mul3A_116, %mul3A_118] : memref<200x16384xf32, #tpu.memory_space<hbm>> -> memref<8x2048xf32, #tpu.memory_space<hbm>>
        tpu.enqueue_dma source(%arg7 : memref<8x2048xf32, #tpu.memory_space<vmem>>) target(%dma_start3A_119 : memref<8x2048xf32, #tpu.memory_space<hbm>>) target_semaphore(%run_scoped3A : memref<!tpu.dma_semaphore, #tpu.memory_space<semaphore_mem>>)
        %dma_wait3A = tpu.memref_slice %arg4[%mul3A_116, %mul3A_118] : memref<200x16384xf32, #tpu.memory_space<hbm>> -> memref<8x2048xf32, #tpu.memory_space<hbm>>
        %dma_wait3A_120 = tpu.memref_slice %arg4[%mul3A_116, %mul3A_118] : memref<200x16384xf32, #tpu.memory_space<hbm>> -> memref<8x2048xf32, #tpu.memory_space<hbm>>
        tpu.wait_dma2 semaphore(%run_scoped3A : memref<!tpu.dma_semaphore, #tpu.memory_space<semaphore_mem>>) src(%arg7 : memref<8x2048xf32, #tpu.memory_space<vmem>>) dst(%dma_wait3A_120 : memref<8x2048xf32, #tpu.memory_space<hbm>>)
        tpu.yield
      }) : () -> ()
    }
    %while3A_69 = arith.constant 1 : i32
    scf.for %while3A_70 = %while3A_67 to %while3A_63 step %while3A_69  : i32 {
      %jit3A_71 = arith.constant 8 : i32
      %div3A_72 = arith.divsi %while3A_70, %jit3A_71 : i32
      %sign3A_73 = arith.constant 0 : i32
      %sign3A_74 = arith.cmpi sgt, %while3A_70, %sign3A_73 : i32
      %sign3A_75 = arith.extui %sign3A_74 : i1 to i32
      %sign3A_76 = arith.constant 0 : i32
      %sign3A_77 = arith.cmpi slt, %while3A_70, %sign3A_76 : i32
      %sign3A_78 = arith.extui %sign3A_77 : i1 to i32
      %sign3A_79 = arith.subi %sign3A_75, %sign3A_78 : i32
      %sign3A_80 = arith.constant 0 : i32
      %sign3A_81 = arith.cmpi sgt, %jit3A_71, %sign3A_80 : i32
      %sign3A_82 = arith.extui %sign3A_81 : i1 to i32
      %sign3A_83 = arith.constant 0 : i32
      %sign3A_84 = arith.cmpi slt, %jit3A_71, %sign3A_83 : i32
      %sign3A_85 = arith.extui %sign3A_84 : i1 to i32
      %sign3A_86 = arith.subi %sign3A_82, %sign3A_85 : i32
      %ne3A_87 = arith.cmpi ne, %sign3A_79, %sign3A_86 : i32
      %rem3A_88 = arith.remsi %while3A_70, %jit3A_71 : i32
      %ne3A_89 = arith.constant 0 : i32
      %ne3A_90 = arith.cmpi ne, %rem3A_88, %ne3A_89 : i32
      %and3A_91 = arith.andi %ne3A_87, %ne3A_90 : i1
      %sub3A_92 = arith.constant 1 : i32
      %sub3A_93 = arith.subi %div3A_72, %sub3A_92 : i32
      %select_n3A_94 = arith.select %and3A_91, %sub3A_93, %div3A_72 : i32
      %jit3A_95 = arith.constant 8 : i32
      %eq3A = arith.constant 0 : i32
      %eq3A_96 = arith.cmpi eq, %jit3A_95, %eq3A : i32
      %jit3A_97 = arith.constant 1 : i32
      %select_n3A_98 = arith.select %eq3A_96, %jit3A_97, %jit3A_95 : i32
      %rem3A_99 = arith.remsi %while3A_70, %select_n3A_98 : i32
      %ne3A_100 = arith.constant 0 : i32
      %ne3A_101 = arith.cmpi ne, %rem3A_99, %ne3A_100 : i32
      %lt3A = arith.constant 0 : i32
      %lt3A_102 = arith.cmpi slt, %rem3A_99, %lt3A : i32
      %lt3A_103 = arith.constant 0 : i32
      %lt3A_104 = arith.cmpi slt, %select_n3A_98, %lt3A_103 : i32
      %ne3A_105 = arith.xori %lt3A_102, %lt3A_104 : i1
      %and3A_106 = arith.andi %ne3A_105, %ne3A_101 : i1
      %add3A_107 = arith.addi %rem3A_99, %select_n3A_98 : i32
      %select_n3A_108 = arith.select %and3A_106, %add3A_107, %rem3A_99 : i32
      %mul3A_109 = arith.constant 8 : i32
      %mul3A_110 = arith.muli %select_n3A_94, %mul3A_109 : i32
      "tpu.region"() ({
        %run_scoped3A = tpu.sem_alloc : memref<!tpu.dma_semaphore, #tpu.memory_space<semaphore_mem>>
        %dma_start3A = arith.constant 0 : i32
        %dma_start3A_119 = tpu.memref_slice %arg3[%mul3A_110, %dma_start3A] : memref<200x1024xf32, #tpu.memory_space<hbm>> -> memref<8x1024xf32, #tpu.memory_space<hbm>>
        %dma_start3A_120 = arith.constant 0 : i32
        %dma_start3A_121 = tpu.memref_slice %arg3[%mul3A_110, %dma_start3A_120] : memref<200x1024xf32, #tpu.memory_space<hbm>> -> memref<8x1024xf32, #tpu.memory_space<hbm>>
        tpu.enqueue_dma source(%dma_start3A_121 : memref<8x1024xf32, #tpu.memory_space<hbm>>) target(%arg5 : memref<8x1024xf32, #tpu.memory_space<vmem>>) target_semaphore(%run_scoped3A : memref<!tpu.dma_semaphore, #tpu.memory_space<semaphore_mem>>)
        %dma_wait3A = arith.constant 0 : i32
        %dma_wait3A_122 = tpu.memref_slice %arg3[%mul3A_110, %dma_wait3A] : memref<200x1024xf32, #tpu.memory_space<hbm>> -> memref<8x1024xf32, #tpu.memory_space<hbm>>
        %dma_wait3A_123 = arith.constant 0 : i32
        %dma_wait3A_124 = tpu.memref_slice %arg3[%mul3A_110, %dma_wait3A_123] : memref<200x1024xf32, #tpu.memory_space<hbm>> -> memref<8x1024xf32, #tpu.memory_space<hbm>>
        tpu.wait_dma2 semaphore(%run_scoped3A : memref<!tpu.dma_semaphore, #tpu.memory_space<semaphore_mem>>) src(%dma_wait3A_124 : memref<8x1024xf32, #tpu.memory_space<hbm>>) dst(%arg5 : memref<8x1024xf32, #tpu.memory_space<vmem>>)
        tpu.yield
      }) : () -> ()
      %mul3A_111 = arith.constant 2048 : i32
      %mul3A_112 = arith.muli %select_n3A_108, %mul3A_111 : i32
      "tpu.region"() ({
        %run_scoped3A = tpu.sem_alloc : memref<!tpu.dma_semaphore, #tpu.memory_space<semaphore_mem>>
        %dma_start3A = tpu.memref_slice %arg2[%mul3A_112] : memref<16384xi32, #tpu.memory_space<hbm>> -> memref<2048xi32, #tpu.memory_space<hbm>>
        %dma_start3A_119 = tpu.memref_slice %arg2[%mul3A_112] : memref<16384xi32, #tpu.memory_space<hbm>> -> memref<2048xi32, #tpu.memory_space<hbm>>
        tpu.enqueue_dma source(%dma_start3A_119 : memref<2048xi32, #tpu.memory_space<hbm>>) target(%arg6 : memref<2048xi32, #tpu.memory_space<vmem>>) target_semaphore(%run_scoped3A : memref<!tpu.dma_semaphore, #tpu.memory_space<semaphore_mem>>)
        %dma_wait3A = tpu.memref_slice %arg2[%mul3A_112] : memref<16384xi32, #tpu.memory_space<hbm>> -> memref<2048xi32, #tpu.memory_space<hbm>>
        %dma_wait3A_120 = tpu.memref_slice %arg2[%mul3A_112] : memref<16384xi32, #tpu.memory_space<hbm>> -> memref<2048xi32, #tpu.memory_space<hbm>>
        tpu.wait_dma2 semaphore(%run_scoped3A : memref<!tpu.dma_semaphore, #tpu.memory_space<semaphore_mem>>) src(%dma_wait3A_120 : memref<2048xi32, #tpu.memory_space<hbm>>) dst(%arg6 : memref<2048xi32, #tpu.memory_space<vmem>>)
        tpu.yield
      }) : () -> ()
      %parallel_loop3A = arith.constant 0 : i32
      %parallel_loop3A_113 = arith.constant 128 : i32
      %parallel_loop3A_114 = arith.constant 1 : i32
      scf.for %parallel_loop3A_119 = %parallel_loop3A to %parallel_loop3A_113 step %parallel_loop3A_114  : i32 {
        %parallel_loop3A_120 = arith.constant 16 : i32
        %parallel_loop3A_121 = arith.muli %parallel_loop3A_119, %parallel_loop3A_120 : i32
        %parallel_loop3A_122 = arith.index_cast %parallel_loop3A_121 : i32 to index
        %parallel_loop3A_123 = tpu.vector_load %arg6[%parallel_loop3A_122] {strides = array<i32>} : memref<2048xi32, #tpu.memory_space<vmem>>, vector<16xi32>,
        %parallel_loop3A_124 = tpu.vector_load_idx %arg5[%broadcast_in_dim3A_47, %parallel_loop3A_123] : memref<8x1024xf32, #tpu.memory_space<vmem>>[vector<16xi32>, vector<16xi32>], vector<16xf32>,
        %parallel_loop3A_125 = arith.constant 16 : i32
        %parallel_loop3A_126 = arith.muli %parallel_loop3A_119, %parallel_loop3A_125 : i32
        %parallel_loop3A_127 = arith.constant 0 : i32
        %parallel_loop3A_128 = arith.index_cast %parallel_loop3A_127 : i32 to index
        %parallel_loop3A_129 = arith.index_cast %parallel_loop3A_126 : i32 to index
        %parallel_loop3A_130 = tpu.vector_load %arg7[%parallel_loop3A_128, %parallel_loop3A_129] {strides = array<i32>} : memref<8x2048xf32, #tpu.memory_space<vmem>>, vector<16xf32>,
        tpu.vector_store %arg7[%parallel_loop3A_128, %parallel_loop3A_129], %parallel_loop3A_124 {strides = array<i32>} : memref<8x2048xf32, #tpu.memory_space<vmem>>, vector<16xf32>,
        %parallel_loop3A_131 = tpu.vector_load_idx %arg5[%broadcast_in_dim3A_49, %parallel_loop3A_123] : memref<8x1024xf32, #tpu.memory_space<vmem>>[vector<16xi32>, vector<16xi32>], vector<16xf32>,
        %parallel_loop3A_132 = arith.constant 16 : i32
        %parallel_loop3A_133 = arith.muli %parallel_loop3A_119, %parallel_loop3A_132 : i32
        %parallel_loop3A_134 = arith.constant 1 : i32
        %parallel_loop3A_135 = arith.index_cast %parallel_loop3A_134 : i32 to index
        %parallel_loop3A_136 = arith.index_cast %parallel_loop3A_133 : i32 to index
        %parallel_loop3A_137 = tpu.vector_load %arg7[%parallel_loop3A_135, %parallel_loop3A_136] {strides = array<i32>} : memref<8x2048xf32, #tpu.memory_space<vmem>>, vector<16xf32>,
        tpu.vector_store %arg7[%parallel_loop3A_135, %parallel_loop3A_136], %parallel_loop3A_131 {strides = array<i32>} : memref<8x2048xf32, #tpu.memory_space<vmem>>, vector<16xf32>,
        %parallel_loop3A_138 = tpu.vector_load_idx %arg5[%broadcast_in_dim3A_51, %parallel_loop3A_123] : memref<8x1024xf32, #tpu.memory_space<vmem>>[vector<16xi32>, vector<16xi32>], vector<16xf32>,
        %parallel_loop3A_139 = arith.constant 16 : i32
        %parallel_loop3A_140 = arith.muli %parallel_loop3A_119, %parallel_loop3A_139 : i32
        %parallel_loop3A_141 = arith.constant 2 : i32
        %parallel_loop3A_142 = arith.index_cast %parallel_loop3A_141 : i32 to index
        %parallel_loop3A_143 = arith.index_cast %parallel_loop3A_140 : i32 to index
        %parallel_loop3A_144 = tpu.vector_load %arg7[%parallel_loop3A_142, %parallel_loop3A_143] {strides = array<i32>} : memref<8x2048xf32, #tpu.memory_space<vmem>>, vector<16xf32>,
        tpu.vector_store %arg7[%parallel_loop3A_142, %parallel_loop3A_143], %parallel_loop3A_138 {strides = array<i32>} : memref<8x2048xf32, #tpu.memory_space<vmem>>, vector<16xf32>,
        %parallel_loop3A_145 = tpu.vector_load_idx %arg5[%broadcast_in_dim3A_53, %parallel_loop3A_123] : memref<8x1024xf32, #tpu.memory_space<vmem>>[vector<16xi32>, vector<16xi32>], vector<16xf32>,
        %parallel_loop3A_146 = arith.constant 16 : i32
        %parallel_loop3A_147 = arith.muli %parallel_loop3A_119, %parallel_loop3A_146 : i32
        %parallel_loop3A_148 = arith.constant 3 : i32
        %parallel_loop3A_149 = arith.index_cast %parallel_loop3A_148 : i32 to index
        %parallel_loop3A_150 = arith.index_cast %parallel_loop3A_147 : i32 to index
        %parallel_loop3A_151 = tpu.vector_load %arg7[%parallel_loop3A_149, %parallel_loop3A_150] {strides = array<i32>} : memref<8x2048xf32, #tpu.memory_space<vmem>>, vector<16xf32>,
        tpu.vector_store %arg7[%parallel_loop3A_149, %parallel_loop3A_150], %parallel_loop3A_145 {strides = array<i32>} : memref<8x2048xf32, #tpu.memory_space<vmem>>, vector<16xf32>,
        %parallel_loop3A_152 = tpu.vector_load_idx %arg5[%broadcast_in_dim3A_55, %parallel_loop3A_123] : memref<8x1024xf32, #tpu.memory_space<vmem>>[vector<16xi32>, vector<16xi32>], vector<16xf32>,
        %parallel_loop3A_153 = arith.constant 16 : i32
        %parallel_loop3A_154 = arith.muli %parallel_loop3A_119, %parallel_loop3A_153 : i32
        %parallel_loop3A_155 = arith.constant 4 : i32
        %parallel_loop3A_156 = arith.index_cast %parallel_loop3A_155 : i32 to index
        %parallel_loop3A_157 = arith.index_cast %parallel_loop3A_154 : i32 to index
        %parallel_loop3A_158 = tpu.vector_load %arg7[%parallel_loop3A_156, %parallel_loop3A_157] {strides = array<i32>} : memref<8x2048xf32, #tpu.memory_space<vmem>>, vector<16xf32>,
        tpu.vector_store %arg7[%parallel_loop3A_156, %parallel_loop3A_157], %parallel_loop3A_152 {strides = array<i32>} : memref<8x2048xf32, #tpu.memory_space<vmem>>, vector<16xf32>,
        %parallel_loop3A_159 = tpu.vector_load_idx %arg5[%broadcast_in_dim3A_57, %parallel_loop3A_123] : memref<8x1024xf32, #tpu.memory_space<vmem>>[vector<16xi32>, vector<16xi32>], vector<16xf32>,
        %parallel_loop3A_160 = arith.constant 16 : i32
        %parallel_loop3A_161 = arith.muli %parallel_loop3A_119, %parallel_loop3A_160 : i32
        %parallel_loop3A_162 = arith.constant 5 : i32
        %parallel_loop3A_163 = arith.index_cast %parallel_loop3A_162 : i32 to index
        %parallel_loop3A_164 = arith.index_cast %parallel_loop3A_161 : i32 to index
        %parallel_loop3A_165 = tpu.vector_load %arg7[%parallel_loop3A_163, %parallel_loop3A_164] {strides = array<i32>} : memref<8x2048xf32, #tpu.memory_space<vmem>>, vector<16xf32>,
        tpu.vector_store %arg7[%parallel_loop3A_163, %parallel_loop3A_164], %parallel_loop3A_159 {strides = array<i32>} : memref<8x2048xf32, #tpu.memory_space<vmem>>, vector<16xf32>,
        %parallel_loop3A_166 = tpu.vector_load_idx %arg5[%broadcast_in_dim3A_59, %parallel_loop3A_123] : memref<8x1024xf32, #tpu.memory_space<vmem>>[vector<16xi32>, vector<16xi32>], vector<16xf32>,
        %parallel_loop3A_167 = arith.constant 16 : i32
        %parallel_loop3A_168 = arith.muli %parallel_loop3A_119, %parallel_loop3A_167 : i32
        %parallel_loop3A_169 = arith.constant 6 : i32
        %parallel_loop3A_170 = arith.index_cast %parallel_loop3A_169 : i32 to index
        %parallel_loop3A_171 = arith.index_cast %parallel_loop3A_168 : i32 to index
        %parallel_loop3A_172 = tpu.vector_load %arg7[%parallel_loop3A_170, %parallel_loop3A_171] {strides = array<i32>} : memref<8x2048xf32, #tpu.memory_space<vmem>>, vector<16xf32>,
        tpu.vector_store %arg7[%parallel_loop3A_170, %parallel_loop3A_171], %parallel_loop3A_166 {strides = array<i32>} : memref<8x2048xf32, #tpu.memory_space<vmem>>, vector<16xf32>,
        %parallel_loop3A_173 = tpu.vector_load_idx %arg5[%broadcast_in_dim3A_61, %parallel_loop3A_123] : memref<8x1024xf32, #tpu.memory_space<vmem>>[vector<16xi32>, vector<16xi32>], vector<16xf32>,
        %parallel_loop3A_174 = arith.constant 16 : i32
        %parallel_loop3A_175 = arith.muli %parallel_loop3A_119, %parallel_loop3A_174 : i32
        %parallel_loop3A_176 = arith.constant 7 : i32
        %parallel_loop3A_177 = arith.index_cast %parallel_loop3A_176 : i32 to index
        %parallel_loop3A_178 = arith.index_cast %parallel_loop3A_175 : i32 to index
        %parallel_loop3A_179 = tpu.vector_load %arg7[%parallel_loop3A_177, %parallel_loop3A_178] {strides = array<i32>} : memref<8x2048xf32, #tpu.memory_space<vmem>>, vector<16xf32>,
        tpu.vector_store %arg7[%parallel_loop3A_177, %parallel_loop3A_178], %parallel_loop3A_173 {strides = array<i32>} : memref<8x2048xf32, #tpu.memory_space<vmem>>, vector<16xf32>,
      } {sc.loop_unroll_factor = 4 : i64, sc.parallel_access}
      %mul3A_115 = arith.constant 8 : i32
      %mul3A_116 = arith.muli %select_n3A_94, %mul3A_115 : i32
      %mul3A_117 = arith.constant 2048 : i32
      %mul3A_118 = arith.muli %select_n3A_108, %mul3A_117 : i32
      "tpu.region"() ({
        %run_scoped3A = tpu.sem_alloc : memref<!tpu.dma_semaphore, #tpu.memory_space<semaphore_mem>>
        %dma_start3A = tpu.memref_slice %arg4[%mul3A_116, %mul3A_118] : memref<200x16384xf32, #tpu.memory_space<hbm>> -> memref<8x2048xf32, #tpu.memory_space<hbm>>
        %dma_start3A_119 = tpu.memref_slice %arg4[%mul3A_116, %mul3A_118] : memref<200x16384xf32, #tpu.memory_space<hbm>> -> memref<8x2048xf32, #tpu.memory_space<hbm>>
        tpu.enqueue_dma source(%arg7 : memref<8x2048xf32, #tpu.memory_space<vmem>>) target(%dma_start3A_119 : memref<8x2048xf32, #tpu.memory_space<hbm>>) target_semaphore(%run_scoped3A : memref<!tpu.dma_semaphore, #tpu.memory_space<semaphore_mem>>)
        %dma_wait3A = tpu.memref_slice %arg4[%mul3A_116, %mul3A_118] : memref<200x16384xf32, #tpu.memory_space<hbm>> -> memref<8x2048xf32, #tpu.memory_space<hbm>>
        %dma_wait3A_120 = tpu.memref_slice %arg4[%mul3A_116, %mul3A_118] : memref<200x16384xf32, #tpu.memory_space<hbm>> -> memref<8x2048xf32, #tpu.memory_space<hbm>>
        tpu.wait_dma2 semaphore(%run_scoped3A : memref<!tpu.dma_semaphore, #tpu.memory_space<semaphore_mem>>) src(%arg7 : memref<8x2048xf32, #tpu.memory_space<vmem>>) dst(%dma_wait3A_120 : memref<8x2048xf32, #tpu.memory_space<hbm>>)
        tpu.yield
      }) : () -> ()
    }
    return
  }
}

module attributes {stable_mosaic.version = 14 : i64} {
  func.func @_prep_body(%arg0: memref<200x1000xf32, #tpu.memory_space<vmem>>, %arg1: memref<200x1024xf32, #tpu.memory_space<vmem>>) attributes {dimension_semantics = [], scalar_prefetch = 0 : i64, scratch_operands = 0 : i64, tpu.core_type = #tpu.core_type<tc>} {
    %get3A = arith.constant 0 : index
    %get3A_0 = arith.constant 0 : index
    %get3A_1 = vector.load %arg0[%get3A, %get3A_0] : memref<200x1000xf32, #tpu.memory_space<vmem>>, vector<200x1000xf32>
    %neg3A = arith.constant 0.000000e+00 : f32
    %neg3A_2 = vector.broadcast %neg3A : f32 to vector<200x1000xf32>
    %neg3A_3 = arith.subf %neg3A_2, %get3A_1 : vector<200x1000xf32>
    %exp3A = math.exp %neg3A_3 : vector<200x1000xf32>
    %add3A = arith.constant 1.000000e+00 : f32
    %add3A_4 = vector.broadcast %add3A : f32 to vector<200x1000xf32>
    %add3A_5 = arith.addf %add3A_4, %exp3A : vector<200x1000xf32>
    %div3A = arith.constant 1.000000e+00 : f32
    %div3A_6 = vector.broadcast %div3A : f32 to vector<200x1000xf32>
    %div3A_7 = arith.divf %div3A_6, %add3A_5 : vector<200x1000xf32>
    %swap3A = arith.constant 0 : index
    %swap3A_8 = arith.constant 0 : index
    %swap3A_9 = vector.load %arg1[%swap3A, %swap3A_8] : memref<200x1024xf32, #tpu.memory_space<vmem>>, vector<200x1000xf32>
    tpu.vector_store %arg1[%swap3A, %swap3A_8], %div3A_7 {strides = array<i32>} : memref<200x1024xf32, #tpu.memory_space<vmem>>, vector<200x1000xf32>,
    %broadcast_in_dim3A = arith.constant 0.000000e+00 : f32
    %broadcast_in_dim3A_10 = vector.broadcast %broadcast_in_dim3A : f32 to vector<200x24xf32>
    %swap3A_11 = arith.constant 0 : index
    %swap3A_12 = arith.constant 1000 : index
    %swap3A_13 = vector.load %arg1[%swap3A_11, %swap3A_12] : memref<200x1024xf32, #tpu.memory_space<vmem>>, vector<200x24xf32>
    tpu.vector_store %arg1[%swap3A_11, %swap3A_12], %broadcast_in_dim3A_10 {strides = array<i32>} : memref<200x1024xf32, #tpu.memory_space<vmem>>, vector<200x24xf32>,
    return
  }
}

</mosaic_0001>

<sc_bundles>
// kernel: kernel.4.cloned.1.call-start
scs
__scs_entry_jumppad:
0x0: {  	(pc) =	sbr.rel $0x88, $3  }
0x1: {  	(tag) =	ssettag $0x0;
	lr =	simm.s32 $0x1  }
0x2: {  	[smem:$0x3F9F] =	sst lr;
	_ =	strace $0xD0000000  }
0x3: {  	_ = 	snop  }
0x4: {  	_ = 	snop  }
0x5: {  	_ = 	snop  }
0x6: {  	_ = 	snop  }
0x7: {  	_ = 	snop  }
__scs_overlays_trampoline_lowered:
0x8: {  	[smem:$0x3FAE] =	sst s0  }
0x9: {  	[smem:$0x3FAF] =	sst s1  }
0xa: {  	[smem:$0x3FB0] =	sst s2  }
0xb: {  	[smem:$0x3FB1] =	sst s3  }
0xc: {  	[smem:$0x3FB2] =	sst s4  }
0xd: {  	[smem:$0x3FB3] =	sst s5  }
0xe: {  	[smem:$0x3FB4] =	sst s6  }
0xf: {  	[smem:$0x3FB5] =	sst s7  }
0x10: {  	[smem:$0x3FB6] =	sst s8  }
0x11: {  	[smem:$0x3FB7] =	sst s9;
	s0 =	simm.s32 @!p0 $0x0  }
0x12: {  	s1 =	sld [smem:$0x3F9D];
	s0 =	simm.s32 @p0 $0x1  }
0x13: {  	[smem:$0x3FB8] =	sst s0;
	s0 =	simm.s32 @!p1 $0x0  }
0x14: {  	s2 =	sld [smem:$0x3F9C];
	s0 =	simm.s32 @p1 $0x1  }
0x15: {  	[smem:$0x3FB9] =	sst s0;
	s0 =	simm.s32 @!p2 $0x0  }
0x16: {  	s3 =	sld [smem:$0x3FDB];
	s0 =	simm.s32 @p2 $0x1  }
0x17: {  	s4 =	simm.s32 $0x1BF5;
	[smem:$0x3FBB] =	sst s0  }
0x18: {  	s0 =	sld [smem:$0x3F9E];
	_ =	swait.ge [sflag:s4], $0x0  }
0x19: {  	s7 =	sld [smem:$0x3F9F]  }
0x1a: {  	s8 =	sadd.s32 $0xFFFFE003, lr  }
0x1b: {  	s9 =	sadd.s32 $0xFFFFFEF7, lr;
	s5 =	simm.s32 $0xFFFFFFFF;
	p2 =	slt.u32 s8, $0xFFFFF086  }
0x1c: {  	p1 =	slt.u32 s9, $0xF7A;
	s5 =	simm.s32 @!p2 $0x0  }
0x1d: {  	s5 =	simm.s32 @p1 $0x1;
	p0 =	seq.s32 s7, s2  }
0x1e: {  	s7 =	smul.u32 @!p0 $0xF7A, s2;
	p2 =	seq.s32 @!p0 s5, $0x0  }
0x1f: {  	s9 =	smul.u32 $0xF7A, s1;
	s8 =	simm.s32 @!p0 $0x1BF5;
	p2 =	por !p2, p0  }
0x20: {  	[sflag:s8] =	ssyncset.s32 @!p0 $0xFFFFF086;
	s6 =	sadd.s32 @!p0 s3, s7;
	s7 =	simm.s32 @!p0 $0x108  }
0x21: {  	s3 =	sadd.s32 s3, s9;
	s6 =	sadd.s32 @!p0 $0x88, s6;
	s7 =	simm.s32 @p2 $0x1082  }
0x22: {  	[simem:s7], [sflag:s8] =	dma.local @!p0 [hbm:s6], $0xF7A  }
0x23: {  	s9 =	sor.u32 $0xD0000000, s2;
	s6 =	simm.s32 $0x108;
	_ =	swait.ge @!p0 [sflag:s8], $0x0  }
0x24: {  	s3 =	sadd.s32 $0x88, s3;
	s6 =	simm.s32 @!p1 $0x1082;
	[sflag:s4] =	ssyncset.s32 $0xFFFFF086  }
0x25: {  	[simem:s6], [sflag:s4] =	dma.local [hbm:s3], $0xF7A  }
0x26: {  	[smem:$0x3F9F] =	sst s1;
	(tag) =	ssettag s2;
	_ =	strace s9  }
0x27: {  	s1 =	sld [smem:$0x3FAF]  }
0x28: {  	s2 =	sld [smem:$0x3FB0]  }
0x29: {  	s4 =	sld [smem:$0x3FB2]  }
0x2a: {  	p0 =	seq.s32 s5, $0x0;
	s5 =	sld [smem:$0x3FB3]  }
0x2b: {  	s6 =	sld [smem:$0x3FB4]  }
0x2c: {  	s7 =	sld [smem:$0x3FB5]  }
0x2d: {  	s3 =	simm.s32 $0x108;
	s8 =	sld [smem:$0x3FB6]  }
0x2e: {  	s3 =	simm.s32 @!p0 $0x1082;
	s9 =	sld [smem:$0x3FB7]  }
0x2f: {  	lr =	sadd.s32 s0, s3;
	s0 =	sld [smem:$0x3FAE]  }
0x30: {  	s3 =	sld [smem:$0x3FB1]  }
0x31: {  	[smem:$0x3FBA] =	sst s10  }
0x32: {  	s10 =	sld [smem:$0x3FB8];
	_ =	sdelay $0x3  }
0x33: {  	p0 =	seq.s32 s10, $0x1;
	s10 =	sld [smem:$0x3FBA];
	_ =	sdelay $0x3  }
0x34: {  	[smem:$0x3FBA] =	sst s10  }
0x35: {  	s10 =	sld [smem:$0x3FB9];
	_ =	sdelay $0x3  }
0x36: {  	p1 =	seq.s32 s10, $0x1;
	s10 =	sld [smem:$0x3FBA];
	_ =	sdelay $0x3  }
0x37: {  	[smem:$0x3FBA] =	sst s10  }
0x38: {  	s10 =	sld [smem:$0x3FBB]  }
0x39: {  	_ = 	snop;
	(pc) =	sbr.ind lr, $3  }
0x3a: {  	_ = 	snop  }
0x3b: {  	_ = 	snop  }
0x3c: {  	p2 =	seq.s32 s10, $0x1;
	s10 =	sld [smem:$0x3FBA]  }
0x3d: {  	_ =	shalt  }
0x3e: {  	_ =	shalt  }
0x3f: {  	_ =	shalt  }
0x40: {  	_ =	shalt  }
0x41: {  	_ =	shalt  }
0x42: {  	_ =	shalt  }
0x43: {  	_ =	shalt  }
0x44: {  	_ =	shalt  }
0x45: {  	_ =	shalt  }
0x46: {  	_ =	shalt  }
0x47: {  	_ =	shalt  }
0x48: {  	_ =	shalt  }
0x49: {  	_ =	shalt  }
0x4a: {  	_ =	shalt  }
0x4b: {  	_ =	shalt  }
0x4c: {  	_ =	shalt  }
0x4d: {  	_ =	shalt  }
0x4e: {  	_ =	shalt  }
0x4f: {  	_ =	shalt  }
0x50: {  	_ =	shalt  }
0x51: {  	_ =	shalt  }
0x52: {  	_ =	shalt  }
0x53: {  	_ =	shalt  }
0x54: {  	_ =	shalt  }
0x55: {  	_ =	shalt  }
0x56: {  	_ =	shalt  }
0x57: {  	_ =	shalt  }
0x58: {  	_ =	shalt  }
0x59: {  	_ =	shalt  }
0x5a: {  	_ =	shalt  }
0x5b: {  	_ =	shalt  }
0x5c: {  	_ =	shalt  }
0x5d: {  	_ =	shalt  }
0x5e: {  	_ =	shalt  }
0x5f: {  	_ =	shalt  }
0x60: {  	_ =	shalt  }
0x61: {  	_ =	shalt  }
0x62: {  	_ =	shalt  }
0x63: {  	_ =	shalt  }
0x64: {  	_ =	shalt  }
0x65: {  	_ =	shalt  }
0x66: {  	_ =	shalt  }
0x67: {  	_ =	shalt  }
0x68: {  	_ =	shalt  }
0x69: {  	_ =	shalt  }
0x6a: {  	_ =	shalt  }
0x6b: {  	_ =	shalt  }
0x6c: {  	_ =	shalt  }
0x6d: {  	_ =	shalt  }
0x6e: {  	_ =	shalt  }
0x6f: {  	_ =	shalt  }
0x70: {  	_ =	shalt  }
0x71: {  	_ =	shalt  }
0x72: {  	_ =	shalt  }
0x73: {  	_ =	shalt  }
0x74: {  	_ =	shalt  }
0x75: {  	_ =	shalt  }
0x76: {  	_ =	shalt  }
0x77: {  	_ =	shalt  }
0x78: {  	_ =	shalt  }
0x79: {  	_ =	shalt  }
0x7a: {  	_ =	shalt  }
0x7b: {  	_ =	shalt  }
0x7c: {  	_ =	shalt  }
0x7d: {  	_ =	shalt  }
0x7e: {  	_ =	shalt  }
0x7f: {  	_ =	shalt  }
0x80: {  	_ =	shalt  }
0x81: {  	_ =	shalt  }
0x82: {  	_ =	shalt  }
0x83: {  	_ =	shalt  }
0x84: {  	_ =	shalt  }
0x85: {  	_ =	shalt  }
0x86: {  	_ =	shalt  }
0x87: {  	_ =	shalt  }
.Lfunc_end0:
.L_simem_size_0:
called_computation_lowered:
.L_overlay_start_0:
0x88: {  	s2 =	sld [smem:$0x3FD9]  }
0x89: {  	s3 =	sld [smem:$0x3FFE];
	_ =	sdelay $0x1  }
0x8a: {  	s1 =	srdreg.scid  }
0x8b: {  	s0 =	sand.u32 $0x1, s1  }
0x8c: {  	s17 =	sshll.u32 s0, $0xA;
	s2 =	sadd.s32 s3, s2  }
0x8d: {  	s2 =	sadd.s32 s2, s17  }
0x8e: {  	[smem:$0x3FC6] =	sst s2  }
0x8f: {  	_ = 	snop  }
0x90: {  	s2 =	sld [smem:$0x3FC9]  }
0x91: {  	s18 =	sld [smem:$0x3FD0];
	(tm) =	ssettm $0x1  }
0x92: {  	s4 =	sld [smem:$0x3FFB];
	_ =	sdelay $0x3  }
0x93: {  	_ =	strace s4  }
0x94: {  	s4 =	sld [smem:$0x3FFC];
	_ =	sdelay $0x3  }
0x95: {  	_ =	strace s4  }
0x96: {  	s4 =	sld [smem:$0x3FFD];
	_ =	sdelay $0x3  }
0x97: {  	_ =	strace s4  }
0x98: {  	_ =	strace $0x8FFFFFFF  }
0x99: {  	s19 =	sld [smem:$0x3FDB];
	_ =	sdelay $0x1  }
0x9a: {  	s5 =	simm.s32 $_scs_section_size  }
0x9b: {  	s6 =	simm.s32 $_size__tile_overlayer_lowered;
	s7 =	simm.s32 $_tile_overlayer_lowered  }
0x9c: {  	s22 =	simm.s32 $0x1BFF;
	s21 =	sshll.u32 s7, $0x1;
	s4 =	sadd.s32 s5, s19  }
0x9d: {  	s8 =	simm.s32 $0x0;
	s20 =	sshll.u32 s6, $0x1;
	s6 =	sadd.s32 s21, s4  }
0x9e: {  	[timem:s8], [sflag:s22] =	dma.local [hbm:s6], s20  }
0x9f: {  	_ =	swait.ge [sflag:s22], s20  }
0xa0: {  	s5 =	ssub.s32 $0x0, s20;
	[sflag:s22] =	ssyncset.done $0x0  }
0xa1: {  	[sflag:s22] =	ssyncadd.s32 s5;
	_ =	sdelay $0x1  }
0xa2: {  	s23 =	simm.s32 $0x1B8B  }
0xa3: {  	_ =	swait.ge [sflag:s23], $0x1  }
0xa4: {  	[sflag:s23] =	ssyncset.done $0x0  }
0xa5: {  	s25 =	simm.s32 $0x1B8E;
	s24 =	sld [smem:$0x3FFE];
	[sflag:s23] =	ssyncadd.s32 $0xFFFFFFFF  }
0xa6: {  	s26 =	simm.s32 $execute0_lowered;
	[smem:$0x3FD2] =	sst s25  }
0xa7: {  	s6 =	sshll.u32 s26, $0x1;
	_ =	strace $0x80000046;
	[dreg:$0x1] =	wrdreg $0xFFFFFFFF  }
0xa8: {  	s28 =	simm.s32 $_size_execute0_lowered;
	s4 =	sadd.s32 s4, s6;
	[dreg:$0x0] =	wrdreg $0x0  }
0xa9: {  	s6 =	sshll.u32 s28, $0x1;
	[dreg:$0x2] =	wrdreg s4  }
0xaa: {  	[dreg:$0x3] =	wrdreg s6  }
0xab: {  	[dreg:$0x4] =	wrdreg $0xC0  }
0xac: {  	_ =	task [dreg:s8], $0x5FFFF  }
0xad: {  	[dreg:$0x1] =	wrdreg $0xFFFFFFFF  }
0xae: {  	[dreg:$0x0] =	wrdreg $0x60  }
0xaf: {  	[dreg:$0x2] =	wrdreg s2  }
0xb0: {  	[dreg:$0x3] =	wrdreg s24  }
0xb1: {  	[dreg:$0x4] =	wrdreg s18  }
0xb2: {  	[dreg:$0x5] =	wrdreg $0x9  }
0xb3: {  	_ =	task.clear_ibuf [dreg:s8], $0x6FFFF;
	_ =	strace $0x90000046  }
0xb4: {  	s29 =	simm.s32 $0x9;
	_ =	strace $0x80000048  }
0xb5: {  	_ =	swait.ge [sflag:s29], $0x1  }
0xb6: {  	[sflag:s29] =	ssyncadd.s32 $0xFFFFFFFF  }
0xb7: {  	_ =	strace $0x90000048  }
0xb8: {  	_ =	sfence  }
0xb9: {  	s30 =	sld [smem:$0x0];
	_ =	sdelay $0x2  }
0xba: {  	s31 =	sshll.u32 s1, $0xD;
	s1 =	sshrl.u32 s1, $0x2  }
0xbb: {  	s3 =	sand.u32 $0x4000, s31;
	s1 =	sadd.s32 s1, s30  }
0xbc: {  	s0 =	sor.u32 s3, s0;
	s1 =	sshll.u32 s1, $0x11  }
0xbd: {  	s0 =	sor.u32 s1, s0  }
0xbe: {  	s0 =	sadd.s32 $0x8F2B, s0  }
0xbf: {  	[sflag:s0] =	ssyncadd.remote.s32 $0x1  }
0xc0: {  	_ =	sfence.sel $0xFFFF  }
0xc1: {  	[dreg:$0x0] =	wrdreg $0xFFFFFFFF;
	(pc) =	sbr.abs _section_cstart, $3  }
0xc2: {  	[dreg:$0x1] =	wrdreg $0xFFFFFFFF  }
0xc3: {  	_ =	task.clear_ibuf [dreg:s8], $0x2FFFF;
	_ =	strace $0x9FFFFFFF  }
0xc4: {  	(tm) =	ssettm $0x7FFFFFFF  }
0xc5: {  	_ =	shalt  }
tec
execute0_lowered:
.L_overlay_start_1:
0x0: {  	(tag) =	ssettag $0x1  }
0x1: {  	s0 =	srdreg.scid;
	s1 =	stileid.u32  }
0x2: {  	s0 =	sand.u32 $0x1, s0;
	s1 =	sshll.u32 s1, $0x1  }
0x3: {  	s2 =	sor.u32 s0, s1  }
0x4: {  	s2 =	smul.u32 $0xC8, s2;
	_ =	sdelay $0x1  }
0x5: {  	s5 =	sadd.s32 $0xC8, s2  }
0x6: {  	s2 =	sshrl.u32 s2, $0x5;
	s6 =	sshrl.u32 s5, $0x5  }
0x7: {  	p0 =	sge.u32 s2, s6  }
.Ltmp0:
0x8: {  	_ = 	snop;
	(pc) =	sbr.rel @p0 .LBB2_7-.Ltmp0, $4  }
0x9: {  	s4 =	simm.s32 $0x0  }
0xa: {  	[smem:$0x7FF] =	sst s4  }
0xb: {  	[dreg:$0x4] =	wrdreg s2  }
0xc: {  	s1 =	rddreg [dreg:$0x1];
	_ =	strace $0x80000047  }
0xd: {  	s0 =	ssub.s32 $0x2, s0  }
0xe: {  	s2 =	sshrl.u32 s0, $0x1  }
0xf: {  	s0 =	ssub.s32 s0, s2  }
0x10: {  	s7 =	sadd.s32 $0x800, s1;
	s9 =	simm.s32 $0x1;
	s0 =	smax.u32 s0, $0x1  }
0x11: {  	s10 =	simm.s32 $0x2800;
	s1 =	simm.s32 $0x0;
	[dreg:$0x5] =	wrdreg s0  }
.LBB2_2:
0x12: {  	[dreg:$0x6] =	wrdreg s1  }
0x13: {  	s12 =	rddreg [dreg:$0x4]  }
.LBB2_3:
0x14: {  	s0 =	sshll.u32 s12, $0x7  }
0x15: {  	s0 =	sand.u32 $0x1FFFFC00, s0  }
0x16: {  	s1 =	simm.s32 $0x0;
	s0 =	sadd.s32 s7, s0  }
0x17: {  	[tilespmem:s1], [sflag:$0x1] =	stream.linear.gather [hbm4b:s0+s1], $0x2000, $0x38;
	[tilespmem:$0x6800] =	vst v63  }
0x18: {  	_ =	swait.ge [sflag:s9], $0x2000  }
0x19: {  	s18 =	sshll.u32 s12, $0x4;
	[sflag:s9] =	ssyncset.done $0x0  }
0x1a: {  	s13 =	sand.u32 $0x70, s18;
	[sflag:s9] =	ssyncadd.s32 $0xFFFFE000  }
0x1b: {  	s0 =	sshll.u32 s13, $0x4;
	s2 =	rddreg [dreg:$0x0]  }
0x1c: {  	s19 =	simm.s32 $0x2000;
	s0 =	sadd.s32 s2, s0  }
0x1d: {  	[tilespmem:s19], [sflag:$0x1] =	stream.linear.gather [hbm4b:s0+s1], $0x800, $0x38;
	[tilespmem:$0x6800] =	vst v63  }
0x1e: {  	s20 =	sand.u32 $0x40, s1;
	s5 =	sand.u32 $0x780, s1;
	_ =	swait.ge [sflag:s9], $0x800  }
0x1f: {  	s5 =	sor.u32 $0x2000, s5;
	s8 =	sor.u32 $0x30, s20;
	[sflag:s9] =	ssyncset.done $0x0  }
0x20: {  	s11 =	sor.u32 s8, s5;
	[sflag:s9] =	ssyncadd.s32 $0xFFFFF800  }
0x21: {  	v0 =	vld [tilespmem:s11+$0x0]  }
0x22: {  	s21 =	sor.u32 $0x10, s20;
	v1 =	vld [tilespmem:s19+$0x0]  }
0x23: {  	s22 =	sor.u32 $0x20, s20;
	s14 =	sor.u32 s21, s5  }
0x24: {  	s5 =	sor.u32 s22, s5;
	v2 =	vld [tilespmem:s14+$0x0]  }
0x25: {  	v3 =	vld [tilespmem:s5+$0x0]  }
0x26: {  	v4 =	vshll.u32 v0, $0x3  }
0x27: {  	v5 =	vshll.u32 v1, $0x3;
	v0 =	vand.u32 $0x7F, v0;
	v4 =	vand.u32 $0xFFFFFC00, v4  }
0x28: {  	v1 =	vand.u32 $0x7F, v1;
	v6 =	vand.u32 $0xFFFFFC00, v5;
	v5 =	vor.u32 v0, v4  }
0x29: {  	v0 =	vor.u32 v1, v6;
	v1 =	vshll.u32 v2, $0x3  }
0x2a: {  	v4 =	vshll.u32 v3, $0x3;
	v2 =	vand.u32 $0x7F, v2;
	v1 =	vand.u32 $0xFFFFFC00, v1  }
0x2b: {  	v6 =	vand.u32 $0xFFFFFC00, v4;
	v4 =	vor.u32 v2, v1;
	v1 =	vand.u32 $0x7F, v3  }
0x2c: {  	v3 =	vor.u32 v1, v6  }
0x2d: {  	v1 =	vld.idx.msk [tilespmem:v5+s4+$0x0], $0xffff  }
0x2e: {  	v6 =	vor.u32 $0x80, v5;
	v2 =	vld.idx.msk [tilespmem:v0+s4+$0x0], $0xffff  }
0x2f: {  	s1 =	sand.u32 $0x3C00, s1;
	v7 =	vor.u32 $0x80, v0  }
0x30: {  	s1 =	sadd.s32 $0x2800, s1;
	v8 =	vld.idx.msk [tilespmem:v4+s4+$0x0], $0xffff  }
0x31: {  	s16 =	sor.u32 s8, s1;
	v9 =	vor.u32 $0x80, v4;
	v10 =	vld.idx.msk [tilespmem:v3+s4+$0x0], $0xffff  }
0x32: {  	s0 =	sor.u32 s20, s1;
	v11 =	vor.u32 $0x80, v3;
	[tilespmem:s16+$0x0] =	vst v1  }
0x33: {  	[tilespmem:s0+$0x0] =	vst v2;
	v1 =	vld.idx.msk [tilespmem:v6+s4+$0x0], $0xffff  }
0x34: {  	s2 =	sor.u32 s21, s1;
	v2 =	vld.idx.msk [tilespmem:v7+s4+$0x0], $0xffff;
	v6 =	vor.u32 $0x100, v5  }
0x35: {  	s23 =	sor.u32 s22, s1;
	v7 =	vor.u32 $0x100, v0;
	[tilespmem:s2+$0x0] =	vst v8  }
0x36: {  	v8 =	vld.idx.msk [tilespmem:v9+s4+$0x0], $0xffff;
	[tilespmem:s23+$0x0] =	vst v10  }
0x37: {  	v9 =	vor.u32 $0x100, v4;
	v10 =	vld.idx.msk [tilespmem:v11+s4+$0x0], $0xffff  }
0x38: {  	v11 =	vor.u32 $0x100, v3;
	[tilespmem:s16+$0x80] =	vst v1  }
0x39: {  	[tilespmem:s0+$0x80] =	vst v2;
	v1 =	vld.idx.msk [tilespmem:v6+s4+$0x0], $0xffff  }
0x3a: {  	v2 =	vld.idx.msk [tilespmem:v7+s4+$0x0], $0xffff;
	v6 =	vor.u32 $0x180, v5  }
0x3b: {  	v7 =	vor.u32 $0x180, v0;
	[tilespmem:s2+$0x80] =	vst v8  }
0x3c: {  	v8 =	vld.idx.msk [tilespmem:v9+s4+$0x0], $0xffff;
	[tilespmem:s23+$0x80] =	vst v10  }
0x3d: {  	s24 =	simm.s32 $0x2040;
	s14 =	simm.s32 $0x40;
	v9 =	vor.u32 $0x180, v4;
	v10 =	vld.idx.msk [tilespmem:v11+s4+$0x0], $0xffff  }
0x3e: {  	s25 =	sand.u32 $0x40, s14;
	s26 =	sand.u32 $0x780, s14;
	v11 =	vld [tilespmem:s24+$0x0];
	[tilespmem:s16+$0x100] =	vst v1  }
0x3f: {  	s1 =	sor.u32 $0x2000, s26;
	s18 =	sor.u32 $0x30, s25;
	[tilespmem:s0+$0x100] =	vst v2;
	v1 =	vld.idx.msk [tilespmem:v6+s4+$0x0], $0xffff  }
0x40: {  	s29 =	sor.u32 s18, s1;
	v2 =	vor.u32 $0x180, v3;
	v6 =	vld.idx.msk [tilespmem:v7+s4+$0x0], $0xffff  }
0x41: {  	s15 =	sor.u32 $0x10, s25;
	v7 =	vor.u32 $0x200, v5;
	[tilespmem:s2+$0x100] =	vst v8;
	v8 =	vld [tilespmem:s29+$0x0]  }
0x42: {  	s17 =	sor.u32 $0x20, s25;
	s30 =	sor.u32 s15, s1;
	v9 =	vld.idx.msk [tilespmem:v9+s4+$0x0], $0xffff  }
0x43: {  	s1 =	sor.u32 s17, s1;
	v13 =	vld [tilespmem:s30+$0x0];
	v12 =	vor.u32 $0x200, v4;
	v14 =	vshll.u32 v11, $0x3  }
0x44: {  	v15 =	vld [tilespmem:s1+$0x0];
	[tilespmem:s23+$0x100] =	vst v10;
	v10 =	vor.u32 $0x200, v0;
	v11 =	vand.u32 $0x7F, v11;
	v14 =	vand.u32 $0xFFFFFC00, v14  }
0x45: {  	p0 =	por $0x0, $0x0;
	s1 =	simm.s32 $0x1;
	v16 =	vld.idx.msk [tilespmem:v2+s4+$0x0], $0xffff;
	[tilespmem:s16+$0x180] =	vst v1;
	v1 =	vor.u32 v11, v14  }
0x46: {  	s1 =	simm.s32 @!p0 $0x0;
	v11 =	vor.u32 $0x200, v3;
	v7 =	vld.idx.msk [tilespmem:v7+s4+$0x0], $0xffff;
	v2 =	vshll.u32 v8, $0x3  }
0x47: {  	s1 =	sshll.u32 s1, $0x6;
	v8 =	vand.u32 $0x7F, v8;
	[tilespmem:s2+$0x180] =	vst v9;
	v2 =	vand.u32 $0xFFFFFC00, v2;
	v9 =	vor.u32 $0x280, v5  }
0x48: {  	v14 =	vor.u32 $0x280, v4;
	[tilespmem:s0+$0x180] =	vst v6;
	s0 =	sadd.s32 $0x0, s1;
	v6 =	vld.idx.msk [tilespmem:v12+s4+$0x0], $0xffff;
	v12 =	vshll.u32 v13, $0x3;
	v2 =	vor.u32 v8, v2  }
0x49: {  	s1 =	sadd.s32 $0x30, s0;
	v8 =	vld.idx.msk [tilespmem:v10+s4+$0x0], $0xffff;
	v10 =	vshll.u32 v15, $0x3;
	v13 =	vand.u32 $0x7F, v13;
	v12 =	vand.u32 $0xFFFFFC00, v12  }
0x4a: {  	s31 =	sor.u32 $0x200, s1;
	v10 =	vand.u32 $0xFFFFFC00, v10;
	[tilespmem:s23+$0x180] =	vst v16;
	v17 =	vld.idx.msk [tilespmem:v1+s4+$0x0], $0xffff;
	v21 =	vor.u32 v13, v12;
	v12 =	vand.u32 $0x7F, v15  }
0x4b: {  	s8 =	sadd.s32 $0x10, s0;
	v11 =	vld.idx.msk [tilespmem:v11+s4+$0x0], $0xffff;
	v10 =	vor.u32 v12, v10;
	[tilespmem:s31+$0x2800] =	vst v7  }
0x4c: {  	s3 =	sor.u32 $0x200, s8;
	v7 =	vor.u32 $0x280, v0;
	v9 =	vld.idx.msk [tilespmem:v9+s4+$0x0], $0xffff  }
0x4d: {  	s16 =	simm.s32 $0x200;
	s11 =	sor.u32 $0x200, s0;
	v12 =	vor.u32 $0x280, v3;
	v13 =	vld.idx.msk [tilespmem:v2+s4+$0x0], $0xffff;
	[tilespmem:s3+$0x2800] =	vst v6  }
0x4e: {  	s21 =	sadd.s32 $0x20, s0;
	s20 =	sand.u32 $0x3C00, s16;
	[tilespmem:s11+$0x2800] =	vst v8;
	v8 =	vor.u32 $0x80, v1;
	v6 =	vld.idx.msk [tilespmem:v14+s4+$0x0], $0xffff  }
0x4f: {  	s19 =	sor.u32 $0x200, s21;
	s2 =	sadd.s32 $0x2800, s20;
	v14 =	vor.u32 $0x300, v5;
	v15 =	vld.idx.msk [tilespmem:v21+s4+$0x0], $0xffff  }
0x50: {  	s24 =	sor.u32 s25, s2;
	v16 =	vor.u32 $0x80, v2;
	[tilespmem:s19+$0x2800] =	vst v11;
	v18 =	vld.idx.msk [tilespmem:v10+s4+$0x0], $0xffff  }
0x51: {  	s22 =	sor.u32 $0x280, s1;
	v19 =	vor.u32 $0x80, v21;
	[tilespmem:s24+$0x0] =	vst v17;
	v22 =	vld.idx.msk [tilespmem:v7+s4+$0x0], $0xffff  }
0x52: {  	s28 =	sor.u32 s18, s2;
	v7 =	vor.u32 $0x80, v10;
	v11 =	vld.idx.msk [tilespmem:v12+s4+$0x0], $0xffff;
	[tilespmem:s22+$0x2800] =	vst v9  }
0x53: {  	s23 =	sor.u32 $0x280, s8;
	v9 =	vor.u32 $0x300, v4;
	[tilespmem:s28+$0x0] =	vst v13;
	v8 =	vld.idx.msk [tilespmem:v8+s4+$0x0], $0xffff  }
0x54: {  	s26 =	sor.u32 s15, s2;
	v13 =	vor.u32 $0x300, v3;
	v12 =	vld.idx.msk [tilespmem:v14+s4+$0x0], $0xffff;
	[tilespmem:s23+$0x2800] =	vst v6  }
0x55: {  	s20 =	sor.u32 s17, s2;
	v5 =	vor.u32 $0x380, v5;
	v16 =	vld.idx.msk [tilespmem:v16+s4+$0x0], $0xffff;
	[tilespmem:s26+$0x0] =	vst v15  }
0x56: {  	s25 =	sor.u32 $0x280, s21;
	v17 =	vor.u32 $0x100, v2;
	v15 =	vld.idx.msk [tilespmem:v19+s4+$0x0], $0xffff;
	[tilespmem:s20+$0x0] =	vst v18  }
0x57: {  	s30 =	sor.u32 $0x280, s0;
	v18 =	vor.u32 $0x100, v1;
	[tilespmem:s25+$0x2800] =	vst v11;
	v7 =	vld.idx.msk [tilespmem:v7+s4+$0x0], $0xffff  }
0x58: {  	s29 =	sor.u32 $0x300, s1;
	v6 =	vor.u32 $0x100, v21;
	[tilespmem:s30+$0x2800] =	vst v22;
	v23 =	vld.idx.msk [tilespmem:v9+s4+$0x0], $0xffff  }
0x59: {  	v20 =	vor.u32 $0x100, v10;
	v14 =	vld.idx.msk [tilespmem:v13+s4+$0x0], $0xffff;
	[tilespmem:s29+$0x2800] =	vst v12  }
0x5a: {  	[tilespmem:s28+$0x80] =	vst v16;
	v16 =	vor.u32 $0x300, v0;
	v24 =	vld.idx.msk [tilespmem:v5+s4+$0x0], $0xffff  }
0x5b: {  	v25 =	vor.u32 $0x380, v4;
	[tilespmem:s24+$0x80] =	vst v8;
	v19 =	vld.idx.msk [tilespmem:v17+s4+$0x0], $0xffff  }
0x5c: {  	v4 =	vor.u32 $0x380, v21;
	v17 =	vld.idx.msk [tilespmem:v18+s4+$0x0], $0xffff;
	[tilespmem:s26+$0x80] =	vst v15  }
0x5d: {  	s1 =	sor.u32 $0x380, s1;
	v11 =	vor.u32 $0x200, v21;
	v22 =	vor.u32 $0x180, v2;
	v13 =	vor.u32 $0x180, v21;
	v18 =	vld.idx.msk [tilespmem:v6+s4+$0x0], $0xffff;
	[tilespmem:s20+$0x80] =	vst v7  }
0x5e: {  	s15 =	sshrl.u32 s12, $0x3;
	s18 =	sor.u32 $0x380, s21;
	s31 =	sor.u32 $0x300, s8;
	v8 =	vor.u32 $0x280, v21;
	v6 =	vor.u32 $0x300, v21;
	v21 =	vor.u32 $0x180, v1;
	v20 =	vld.idx.msk [tilespmem:v20+s4+$0x0], $0xffff  }
0x5f: {  	s17 =	sor.u32 $0x380, s0;
	s19 =	simm.s32 $0x4;
	s22 =	sor.u32 $0x380, s8;
	v3 =	vor.u32 $0x380, v3;
	v9 =	vor.u32 $0x200, v10;
	v12 =	vor.u32 $0x180, v10;
	[tilespmem:s31+$0x2800] =	vst v23;
	v15 =	vld.idx.msk [tilespmem:v16+s4+$0x0], $0xffff  }
0x60: {  	s23 =	sor.u32 $0x300, s0;
	s25 =	sor.u32 $0x300, s21;
	s21 =	simm.s32 $0x2080;
	v5 =	vor.u32 $0x300, v10;
	v7 =	vor.u32 $0x280, v10;
	v10 =	vor.u32 $0x380, v10;
	v16 =	vld.idx.msk [tilespmem:v25+s4+$0x0], $0xffff;
	[tilespmem:s1+$0x2800] =	vst v24  }
.LBB2_4:
0x61: {  	v23 =	vld [tilespmem:s21+$0x0];
	[tilespmem:s28+$0x100] =	vst v19;
	s14 =	sadd.s32 $0x40, s14  }
0x62: {  	s19 =	sadd.s32 $0x4, s19;
	s29 =	sand.u32 $0x40, s14;
	s0 =	sand.u32 $0x780, s14;
	[tilespmem:s24+$0x100] =	vst v17;
	v17 =	vld.idx.msk [tilespmem:v22+s4+$0x0], $0xffff  }
0x63: {  	p1 =	slt.u32 s19, $0x7C;
	s0 =	sor.u32 $0x2000, s0;
	s30 =	sor.u32 $0x30, s29;
	v19 =	vld.idx.msk [tilespmem:v21+s4+$0x0], $0xffff;
	[tilespmem:s26+$0x100] =	vst v18  }
0x64: {  	s1 =	sor.u32 $0x10, s29;
	s31 =	sor.u32 $0x20, s29;
	v18 =	vor.u32 $0x200, v2;
	s2 =	sor.u32 s30, s0;
	v13 =	vld.idx.msk [tilespmem:v13+s4+$0x0], $0xffff;
	[tilespmem:s20+$0x100] =	vst v20  }
0x65: {  	v21 =	vor.u32 $0x200, v1;
	s5 =	sor.u32 s1, s0;
	s0 =	sor.u32 s31, s0;
	v20 =	vld [tilespmem:s2+$0x0];
	[tilespmem:s25+$0x2800] =	vst v14  }
0x66: {  	v14 =	vld [tilespmem:s5+$0x0];
	[tilespmem:s23+$0x2800] =	vst v15  }
0x67: {  	v15 =	vshll.u32 v23, $0x3;
	v22 =	vld [tilespmem:s0+$0x0];
	[tilespmem:s22+$0x2800] =	vst v16  }
0x68: {  	v16 =	vand.u32 $0x7F, v23;
	v15 =	vand.u32 $0xFFFFFC00, v15;
	v12 =	vld.idx.msk [tilespmem:v12+s4+$0x0], $0xffff;
	[tilespmem:s28+$0x180] =	vst v17;
	v17 =	vor.u32 $0x380, v0;
	v0 =	vmovc v1  }
0x69: {  	p0 =	por !p0, !p0;
	s0 =	simm.s32 $0x1;
	v1 =	vor.u32 v16, v15;
	[tilespmem:s24+$0x180] =	vst v19;
	v15 =	vld.idx.msk [tilespmem:v18+s4+$0x0], $0xffff  }
0x6a: {  	s0 =	simm.s32 @!p0 $0x0;
	v16 =	vshll.u32 v20, $0x3;
	v18 =	vld.idx.msk [tilespmem:v21+s4+$0x0], $0xffff;
	[tilespmem:s26+$0x180] =	vst v13  }
0x6b: {  	s0 =	sshll.u32 s0, $0x6;
	v13 =	vand.u32 $0x7F, v20;
	v16 =	vand.u32 $0xFFFFFC00, v16;
	v19 =	vld.idx.msk [tilespmem:v11+s4+$0x0], $0xffff;
	v11 =	vor.u32 $0x280, v2  }
0x6c: {  	s24 =	sadd.s32 s0, s16;
	v20 =	vshll.u32 v14, $0x3;
	v21 =	vshll.u32 v22, $0x3;
	v16 =	vor.u32 v13, v16;
	v23 =	vld.idx.msk [tilespmem:v3+s4+$0x0], $0xffff;
	v3 =	vmovc v10  }
0x6d: {  	s22 =	sadd.s32 $0x10, s24;
	s26 =	sadd.s32 $0x20, s24;
	s0 =	sadd.s32 $0x30, s24;
	v10 =	vand.u32 $0x7F, v14;
	v13 =	vand.u32 $0xFFFFFC00, v20;
	v14 =	vand.u32 $0xFFFFFC00, v21;
	v17 =	vld.idx.msk [tilespmem:v17+s4+$0x0], $0xffff  }
0x6e: {  	s28 =	sor.u32 $0x200, s22;
	s5 =	sor.u32 $0x200, s0;
	v10 =	vor.u32 v10, v13;
	v13 =	vand.u32 $0x7F, v22;
	v21 =	vor.u32 $0x280, v0;
	v20 =	vld.idx.msk [tilespmem:v1+s4+$0x0], $0xffff;
	[tilespmem:s20+$0x180] =	vst v12;
	s20 =	sor.u32 $0x200, s26  }
0x6f: {  	s8 =	sor.u32 $0x200, s24;
	s2 =	sor.u32 $0x280, s22;
	s11 =	sor.u32 $0x280, s26;
	v22 =	vor.u32 $0x80, v10;
	v24 =	vor.u32 $0x100, v10;
	v14 =	vor.u32 v13, v14;
	v25 =	vld.idx.msk [tilespmem:v9+s4+$0x0], $0xffff;
	[tilespmem:s5+$0x2800] =	vst v15  }
0x70: {  	s25 =	sor.u32 $0x300, s26;
	v13 =	vor.u32 $0x180, v10;
	v15 =	vor.u32 $0x80, v14;
	v26 =	vor.u32 $0x100, v14;
	s5 =	sor.u32 $0x280, s24;
	[tilespmem:s8+$0x2800] =	vst v18;
	s8 =	sor.u32 $0x300, s22;
	v18 =	vld.idx.msk [tilespmem:v11+s4+$0x0], $0xffff  }
0x71: {  	s23 =	sor.u32 $0x300, s24;
	s26 =	sor.u32 $0x380, s26;
	v12 =	vor.u32 $0x180, v14;
	v9 =	vor.u32 $0x200, v14;
	v11 =	vor.u32 $0x200, v10;
	s22 =	sor.u32 $0x380, s22;
	v27 =	vld.idx.msk [tilespmem:v16+s4+$0x0], $0xffff;
	[tilespmem:s28+$0x2800] =	vst v19  }
0x72: {  	v29 =	vor.u32 $0x300, v2;
	s24 =	sor.u32 $0x380, s24;
	v19 =	vor.u32 $0x280, v14;
	v28 =	vld.idx.msk [tilespmem:v8+s4+$0x0], $0xffff;
	v8 =	vor.u32 $0x280, v10;
	[tilespmem:s18+$0x2800] =	vst v23;
	s18 =	smov.u32 s26  }
0x73: {  	s16 =	sadd.s32 $0x200, s16;
	v32 =	vor.u32 $0x80, v16;
	v30 =	vor.u32 $0x300, v10;
	v31 =	vor.u32 $0x300, v14;
	v23 =	vld.idx.msk [tilespmem:v10+s4+$0x0], $0xffff;
	[tilespmem:s17+$0x2800] =	vst v17;
	s17 =	smov.u32 s24  }
0x74: {  	v33 =	vor.u32 $0x380, v10;
	s24 =	sand.u32 $0x3C00, s16;
	v17 =	vor.u32 $0x80, v1;
	v10 =	vor.u32 $0x380, v14;
	v34 =	vld.idx.msk [tilespmem:v14+s4+$0x0], $0xffff  }
0x75: {  	s3 =	sadd.s32 $0x2800, s24;
	v35 =	vld.idx.msk [tilespmem:v21+s4+$0x0], $0xffff;
	[tilespmem:s20+$0x2800] =	vst v25;
	s20 =	sor.u32 $0x280, s0  }
0x76: {  	s24 =	sor.u32 s29, s3;
	s26 =	sor.u32 s1, s3;
	s28 =	sor.u32 s30, s3;
	v14 =	vld.idx.msk [tilespmem:v7+s4+$0x0], $0xffff;
	[tilespmem:s20+$0x2800] =	vst v18;
	v7 =	vmov v19  }
0x77: {  	s20 =	sor.u32 s31, s3;
	[tilespmem:s28+$0x0] =	vst v27;
	v18 =	vld.idx.msk [tilespmem:v29+s4+$0x0], $0xffff  }
0x78: {  	[tilespmem:s24+$0x0] =	vst v20;
	v19 =	vld.idx.msk [tilespmem:v32+s4+$0x0], $0xffff  }
0x79: {  	v20 =	vor.u32 $0x380, v2;
	v2 =	vmov v16;
	v17 =	vld.idx.msk [tilespmem:v17+s4+$0x0], $0xffff;
	[tilespmem:s26+$0x0] =	vst v23  }
0x7a: {  	v21 =	vor.u32 $0x100, v2;
	v16 =	vld.idx.msk [tilespmem:v22+s4+$0x0], $0xffff;
	[tilespmem:s20+$0x0] =	vst v34  }
0x7b: {  	v22 =	vor.u32 $0x100, v1;
	v15 =	vld.idx.msk [tilespmem:v15+s4+$0x0], $0xffff;
	[tilespmem:s2+$0x2800] =	vst v28  }
0x7c: {  	s1 =	sor.u32 $0x300, s0;
	v23 =	vld.idx.msk [tilespmem:v6+s4+$0x0], $0xffff;
	[tilespmem:s11+$0x2800] =	vst v14;
	v6 =	vmov v30  }
0x7d: {  	v14 =	vld.idx.msk [tilespmem:v5+s4+$0x0], $0xffff;
	[tilespmem:s1+$0x2800] =	vst v18;
	v5 =	vmov v31  }
0x7e: {  	v25 =	vor.u32 $0x300, v0;
	[tilespmem:s28+$0x80] =	vst v19;
	v27 =	vld.idx.msk [tilespmem:v20+s4+$0x0], $0xffff  }
0x7f: {  	[tilespmem:s24+$0x80] =	vst v17;
	v19 =	vld.idx.msk [tilespmem:v21+s4+$0x0], $0xffff  }
.Ltmp1:
0x80: {  	v17 =	vld.idx.msk [tilespmem:v22+s4+$0x0], $0xffff;
	[tilespmem:s26+$0x80] =	vst v16;
	(pc) =	sbr.rel @p1 .LBB2_4-.Ltmp1, $4  }
0x81: {  	v22 =	vor.u32 $0x180, v2;
	v18 =	vld.idx.msk [tilespmem:v24+s4+$0x0], $0xffff;
	[tilespmem:s20+$0x80] =	vst v15  }
0x82: {  	v21 =	vor.u32 $0x180, v1;
	v20 =	vld.idx.msk [tilespmem:v26+s4+$0x0], $0xffff;
	[tilespmem:s5+$0x2800] =	vst v35  }
0x83: {  	s0 =	sor.u32 $0x380, s0;
	v15 =	vld.idx.msk [tilespmem:v25+s4+$0x0], $0xffff;
	[tilespmem:s8+$0x2800] =	vst v23  }
0x84: {  	s21 =	sadd.s32 $0x40, s21;
	v16 =	vld.idx.msk [tilespmem:v4+s4+$0x0], $0xffff;
	[tilespmem:s0+$0x2800] =	vst v27;
	v4 =	vmov v33  }
0x85: {  	_ =	sdelay $0x2  }
0x86: {  	[tilespmem:s28+$0x100] =	vst v19  }
0x87: {  	[tilespmem:s24+$0x100] =	vst v17;
	v19 =	vld.idx.msk [tilespmem:v22+s4+$0x0], $0xffff  }
0x88: {  	v53 =	vor.u32 $0x200, v2;
	[tilespmem:s26+$0x100] =	vst v18;
	v17 =	vld.idx.msk [tilespmem:v21+s4+$0x0], $0xffff  }
0x89: {  	v54 =	vor.u32 $0x200, v1;
	v13 =	vld.idx.msk [tilespmem:v13+s4+$0x0], $0xffff;
	[tilespmem:s20+$0x100] =	vst v20  }
0x8a: {  	v12 =	vld.idx.msk [tilespmem:v12+s4+$0x0], $0xffff;
	_ =	sdelay $0x1  }
0x8b: {  	p0 =	por !p0, !p0;
	s0 =	simm.s32 $0x1;
	[tilespmem:s28+$0x180] =	vst v19  }
0x8c: {  	s0 =	simm.s32 @!p0 $0x0;
	[tilespmem:s24+$0x180] =	vst v17;
	v18 =	vld.idx.msk [tilespmem:v53+s4+$0x0], $0xffff  }
0x8d: {  	v55 =	vor.u32 $0x280, v2;
	s0 =	sshll.u32 s0, $0x6;
	[tilespmem:s26+$0x180] =	vst v13;
	v56 =	vld.idx.msk [tilespmem:v54+s4+$0x0], $0xffff  }
0x8e: {  	v57 =	vor.u32 $0x280, v1;
	s0 =	sadd.s32 s0, s16;
	v11 =	vld.idx.msk [tilespmem:v11+s4+$0x0], $0xffff;
	[tilespmem:s20+$0x180] =	vst v12  }
0x8f: {  	s1 =	sadd.s32 $0x30, s0;
	v9 =	vld.idx.msk [tilespmem:v9+s4+$0x0], $0xffff  }
0x90: {  	s3 =	sor.u32 $0x200, s1  }
0x91: {  	s2 =	sadd.s32 $0x10, s0;
	s14 =	sor.u32 $0x200, s0;
	[tilespmem:s3+$0x2800] =	vst v18  }
0x92: {  	s5 =	sadd.s32 $0x20, s0;
	s8 =	sor.u32 $0x200, s2;
	[tilespmem:s14+$0x2800] =	vst v56;
	v13 =	vld.idx.msk [tilespmem:v55+s4+$0x0], $0xffff  }
0x93: {  	v58 =	vor.u32 $0x300, v2;
	s11 =	sor.u32 $0x200, s5;
	[tilespmem:s8+$0x2800] =	vst v11;
	v59 =	vld.idx.msk [tilespmem:v57+s4+$0x0], $0xffff  }
0x94: {  	v60 =	vor.u32 $0x300, v1;
	v8 =	vld.idx.msk [tilespmem:v8+s4+$0x0], $0xffff;
	[tilespmem:s11+$0x2800] =	vst v9  }
0x95: {  	v7 =	vld.idx.msk [tilespmem:v7+s4+$0x0], $0xffff  }
0x96: {  	[tilespmem:s25+$0x2800] =	vst v14;
	s16 =	sor.u32 $0x280, s1  }
0x97: {  	s21 =	sor.u32 $0x280, s0;
	[tilespmem:s16+$0x2800] =	vst v13  }
0x98: {  	v0 =	vor.u32 $0x380, v0;
	s19 =	sor.u32 $0x280, s2;
	[tilespmem:s21+$0x2800] =	vst v59;
	v11 =	vld.idx.msk [tilespmem:v58+s4+$0x0], $0xffff  }
0x99: {  	v61 =	vor.u32 $0x380, v2;
	s20 =	sor.u32 $0x280, s5;
	[tilespmem:s19+$0x2800] =	vst v8;
	v62 =	vld.idx.msk [tilespmem:v60+s4+$0x0], $0xffff  }
0x9a: {  	v63 =	vor.u32 $0x380, v1;
	v6 =	vld.idx.msk [tilespmem:v6+s4+$0x0], $0xffff;
	[tilespmem:s20+$0x2800] =	vst v7  }
0x9b: {  	[tilespmem:s23+$0x2800] =	vst v15;
	v5 =	vld.idx.msk [tilespmem:v5+s4+$0x0], $0xffff  }
0x9c: {  	v3 =	vld.idx.msk [tilespmem:v3+s4+$0x0], $0xffff;
	[tilespmem:s22+$0x2800] =	vst v16;
	s24 =	sor.u32 $0x300, s1  }
0x9d: {  	v0 =	vld.idx.msk [tilespmem:v0+s4+$0x0], $0xffff;
	s28 =	sor.u32 $0x300, s0;
	[tilespmem:s24+$0x2800] =	vst v11  }
0x9e: {  	s25 =	sor.u32 $0x300, s2;
	[tilespmem:s28+$0x2800] =	vst v62;
	v2 =	vld.idx.msk [tilespmem:v61+s4+$0x0], $0xffff  }
0x9f: {  	s26 =	sor.u32 $0x300, s5;
	[tilespmem:s25+$0x2800] =	vst v6;
	v1 =	vld.idx.msk [tilespmem:v63+s4+$0x0], $0xffff  }
0xa0: {  	v4 =	vld.idx.msk [tilespmem:v4+s4+$0x0], $0xffff;
	[tilespmem:s26+$0x2800] =	vst v5  }
0xa1: {  	[tilespmem:s18+$0x2800] =	vst v3;
	v5 =	vld.idx.msk [tilespmem:v10+s4+$0x0], $0xffff  }
0xa2: {  	s29 =	sshll.u32 s15, $0x11;
	s1 =	sor.u32 $0x380, s1;
	[tilespmem:s17+$0x2800] =	vst v0  }
0xa3: {  	s30 =	sshll.u32 s13, $0xA;
	s31 =	rddreg [dreg:$0x2];
	s0 =	sor.u32 $0x380, s0;
	[tilespmem:s1+$0x2800] =	vst v2  }
0xa4: {  	s12 =	sadd.s32 $0x1, s12;
	s2 =	sor.u32 $0x380, s2;
	s1 =	sor.u32 s29, s30;
	[tilespmem:s0+$0x2800] =	vst v1  }
0xa5: {  	p0 =	sne.s32 s12, s6;
	s5 =	sor.u32 $0x380, s5;
	[tilespmem:s2+$0x2800] =	vst v4;
	s1 =	sshrl.u32 s1, $0x3  }
.Ltmp2:
0xa6: {  	[tilespmem:s5+$0x2800] =	vst v5;
	s0 =	sadd.s32 s31, s1;
	(pc) =	sbr.rel @p0 .LBB2_3-.Ltmp2, $4  }
0xa7: {  	[hbm4b:s0+s4] =	stream.linear.scatter [tilespmem:s10], [sflag:$0x1], $0x4000, $0x38;
	[tilespmem:$0x6800] =	vst v63  }
0xa8: {  	_ =	swait.ge [sflag:s9], $0x4000  }
0xa9: {  	[sflag:s9] =	ssyncset.done $0x0  }
0xaa: {  	[sflag:s9] =	ssyncadd.s32 $0xFFFFC000  }
0xab: {  	s1 =	rddreg [dreg:$0x6]  }
0xac: {  	s0 =	rddreg [dreg:$0x5];
	s1 =	sadd.s32 $0x1, s1  }
0xad: {  	p0 =	sne.s32 s1, s0  }
.Ltmp3:
0xae: {  	_ = 	snop;
	(pc) =	sbr.rel @p0 .LBB2_2-.Ltmp3, $1  }
0xaf: {  	_ =	sdelay $0x3  }
.LBB2_7:
0xb0: {  	_ =	sfence.sel $0x180000  }
0xb1: {  	[bflag:$0x0] =	sbarrier.arrive $0xFFFF  }
0xb2: {  	_ =	strace $0x90000047  }
0xb3: {  	s0 =	stileid.u32;
	[bflag:$0x2] =	sbarrier.arrive $0xFFFF  }
0xb4: {  	p0 =	sne.s32 s0, $0x0;
	s0 =	rddreg [dreg:$0x3]  }
0xb5: {  	s0 =	sadd.s32 @!p0 $0x100000, s0  }
0xb6: {  	[sflag:s0] =	ssyncadd.tile.s32 @!p0 $0x1;
	_ =	shalt  }
.Lfunc_end2:
_tile_overlayer_lowered:
.L_overlay_start_2:
0xb7: {  	(tag) =	ssettag $0x2  }
0xb8: {  	s0 =	rddreg [dreg:$0x0];
	s2 =	stileid.u32  }
0xb9: {  	s1 =	rddreg [dreg:$0x1];
	p0 =	sne.s32 s2, $0x0  }
0xba: {  	s3 =	rddreg [dreg:$0x2];
	[bflag:$0x3] =	sbarrier.arrive $0xFFFF;
	s2 =	simm.s32 @!p0 $0x1C01  }
0xbb: {  	[timem:s3], [sflag:s2] =	dma.local @!p0 [hbm:s0], s1  }
0xbc: {  	s0 =	simm.s32 @!p0 $0x1  }
0xbd: {  	_ =	swait.ge @!p0 [sflag:s0], s1  }
0xbe: {  	s1 =	ssub.s32 @!p0 $0x0, s1;
	[sflag:s0] =	ssyncset.done @!p0 $0x0  }
0xbf: {  	[sflag:s0] =	ssyncadd.s32 @!p0 s1  }
0xc0: {  	[bflag:$0x3] =	sbarrier.arrive $0xFFFF  }
0xc1: {  	_ =	shalt  }

</sc_bundles>
